<compile_context>
chip_gen: v7x
topology: tpu7x:2x2x1
jax: 0.10.2.dev20260603
libtpu: 0.0.44.dev20260713+nightly
codegen_flags: <defaults>
</compile_context>

<pallas_src>
import functools

import numpy as np

import jax
import jax.numpy as jnp
from jax import lax
from jax.experimental import pallas as pl
from jax.experimental.pallas import tpu as pltpu
from jax.experimental.pallas import tpu_sc as plsc

N_NODES = 10240
N_REAL = 10000
D = 128
NC = 2
NS = 16
NW = NC * NS
CHUNK = 128
QB = 8
NBUF = 2
ZROWS = 64


def _sc_segment_sum(n_blocks):
    rows_per_tile = N_NODES // NS

    mesh = plsc.VectorSubcoreMesh(
        core_axis_name="c", subcore_axis_name="s", num_cores=NC, num_subcores=NS
    )

    @functools.partial(
        pl.kernel,
        out_type=jax.ShapeDtypeStruct((NC, N_NODES, D), jnp.float32),
        mesh=mesh,
        scratch_types=[
            [[pltpu.VMEM((QB, CHUNK), jnp.int32) for _ in range(2)]
             for _ in range(2)],
            [pltpu.VMEM((CHUNK, D), jnp.float32) for _ in range(NBUF)],
            pltpu.VMEM((ZROWS, D), jnp.float32),
            [pltpu.SemaphoreType.DMA for _ in range(2)],
            [pltpu.SemaphoreType.DMA for _ in range(NBUF)],
            pltpu.SemaphoreType.DMA,
            pltpu.VMEM_SHARED((N_NODES, D), jnp.float32),
        ],
    )
    def kern(x_hbm, sd_hbm, out_hbm, idxs, rows, zbuf, isems, gsems, zsem,
             agg):
        cid = lax.axis_index("c")
        sid = lax.axis_index("s")
        wid = cid * NS + sid

        zvec = jnp.zeros((16,), jnp.float32)

        def zrow(i, _):
            for k in range(D // 16):
                zbuf[i, pl.ds(k * 16, 16)] = zvec
            return 0

        lax.fori_loop(0, ZROWS, zrow, 0)
        r0 = sid * rows_per_tile
        nz = rows_per_tile // ZROWS
        for c in range(nz):
            pltpu.async_copy(zbuf, agg.at[pl.ds(r0 + c * ZROWS, ZROWS)],
                             zsem)

        def load_idx(t, iset, sem):
            pltpu.async_copy(sd_hbm.at[0, wid, t], iset[0], sem)
            pltpu.async_copy(sd_hbm.at[1, wid, t], iset[1], sem)

        def wait_idx(iset, sem):
            pltpu.make_async_copy(sd_hbm.at[0, wid, 0], iset[0], sem).wait()
            pltpu.make_async_copy(sd_hbm.at[1, wid, 0], iset[1], sem).wait()

        load_idx(0, idxs[0], isems[0])
        wait_idx(idxs[0], isems[0])
        load_idx(1, idxs[1], isems[1])
        for b in range(NBUF):
            pltpu.async_copy(x_hbm.at[idxs[0][0].at[b]], rows[b], gsems[b])

        for c in range(nz):
            pltpu.make_async_copy(zbuf, agg.at[pl.ds(r0 + c * ZROWS, ZROWS)],
                                  zsem).wait()
        plsc.subcore_barrier()

        def outer(u, _):
            for half in range(2):
                t = 2 * u + half
                iset, inext = idxs[half], idxs[1 - half]

                for q in range(QB):
                    b = q % NBUF
                    pltpu.make_async_copy(
                        x_hbm.at[iset[0].at[q]], rows[b], gsems[b]).wait()

                    if q == QB - NBUF:
                        @pl.when(t + 1 < n_blocks)
                        def _():
                            wait_idx(inext, isems[1 - half])

                    pltpu.sync_copy(rows[b], agg.at[iset[1].at[q]], add=True)

                    r = q + NBUF
                    if r < QB:
                        pltpu.async_copy(
                            x_hbm.at[iset[0].at[r]], rows[b], gsems[b])
                    else:
                        @pl.when(t + 1 < n_blocks)
                        def _():
                            pltpu.async_copy(
                                x_hbm.at[inext[0].at[r - QB]], rows[b],
                                gsems[b])

                @pl.when(t + 2 < n_blocks)
                def _():
                    load_idx(t + 2, iset, isems[half])
            return 0

        lax.fori_loop(0, n_blocks // 2, outer, 0)
        plsc.subcore_barrier()

        pltpu.sync_copy(agg.at[pl.ds(r0, rows_per_tile)],
                        out_hbm.at[cid, pl.ds(r0, rows_per_tile)])

    return kern


def _combine_body(p_ref, w_ref, b_ref, o_ref):
    s = p_ref[0] + p_ref[1]
    o_ref[...] = (
        jnp.dot(s, w_ref[...], preferred_element_type=jnp.float32) + b_ref[...]
    )


def kernel(x, edge_index, W, b):
    n = x.shape[0]
    e = edge_index.shape[1]
    d = x.shape[1]

    ei = edge_index.astype(jnp.int32)

    group = NW * 2 * QB * CHUNK
    e_pad = -(-e // group) * group
    n_chunks = e_pad // (NW * CHUNK)
    n_blocks = n_chunks // QB
    pad = e_pad - e
    pad_idx = np.arange(pad, dtype=np.int32)
    pad_block = np.stack([pad_idx % min(n, 4096),
                          N_REAL + pad_idx % (N_NODES - N_REAL)])
    sd = jnp.concatenate([ei, jnp.asarray(pad_block)], axis=1).reshape(
        2, NW, n_blocks, QB, CHUNK)

    partials = _sc_segment_sum(n_blocks)(x, sd)

    bm = 2048
    out = pl.pallas_call(
        _combine_body,
        grid=(-(-n // bm),),
        in_specs=[
            pl.BlockSpec((NC, bm, d), lambda i: (0, i, 0)),
            pl.BlockSpec((d, W.shape[1]), lambda i: (0, 0)),
            pl.BlockSpec((1, W.shape[1]), lambda i: (0, 0)),
        ],
        out_specs=pl.BlockSpec((bm, W.shape[1]), lambda i: (i, 0)),
        out_shape=jax.ShapeDtypeStruct((n, W.shape[1]), jnp.float32),
    )(partials, W, b)
    return out

# --- scband reference (transcript-rebuilt; emitter-appended) ---
"""Pipeline reference for scband-gcnconv-19361712571372 (READ-ONLY COPY).

The authoritative reference and input builder live on the scoring server;
editing this copy changes nothing except your own understanding.
"""

import jax, jax.numpy as jnp
import numpy as np

N = 10000
E = 320000
D_IN = 128
D_OUT = 128


def setup_inputs(seed: int = 0) -> dict:
    key = jax.random.key(seed)
    k1, k2, k3, k4 = jax.random.split(key, 4)
    x = jax.random.normal(k1, (N, D_IN), dtype=jnp.float32)
    edge_index = jax.random.randint(k2, (2, E), 0, N, dtype=jnp.int32).astype(jnp.int64)
    bound = float(np.sqrt(D_IN))
    W = jax.random.uniform(k3, (D_IN, D_OUT), minval=-bound, maxval=bound, dtype=jnp.float32)
    b = jax.random.uniform(k4, (1, D_OUT), minval=-bound, maxval=bound, dtype=jnp.float32)
    return {"x": x, "edge_index": edge_index, "W": W, "b": b}


def reference(x, edge_index, W, b):
    # ptens.gather(features, graph): for 0th-order ptensors this aggregates
    # (sums) neighbor features per destination node -> gather + scatter-add.
    src = edge_index[0]
    dst = edge_index[1]
    messages = jnp.take(x, src, axis=0)
    agg = jax.ops.segment_sum(messages, dst, num_segments=N)
    # Linear: x * W + b (ptens matrix product) -> agg @ W + b
    out = agg @ W + b
    return out

if __name__ == "__main__":
    import jax
    _d = setup_inputs()
    print(jax.jit(kernel)(*tuple(_d.values())))

</pallas_src>

<mosaic_0001>
#map = affine_map<(d0, d1) -> (0, 0)>
#map1 = affine_map<(d0, d1) -> (0, 0, 0, 0, 0)>
#map2 = affine_map<(d0, d1) -> (0, 0, 0)>
module attributes {stable_mosaic.version = 14 : i64} {
  func.func @kern(%arg0: i32, %arg1: i32, %arg2: memref<10000x128xf32, #tpu.memory_space<hbm>>, %arg3: memref<2x32x10x8x128xi32, #tpu.memory_space<hbm>>, %arg4: memref<2x10240x128xf32, #tpu.memory_space<hbm>>, %arg5: memref<8x128xi32, #tpu.memory_space<vmem>>, %arg6: memref<8x128xi32, #tpu.memory_space<vmem>>, %arg7: memref<8x128xi32, #tpu.memory_space<vmem>>, %arg8: memref<8x128xi32, #tpu.memory_space<vmem>>, %arg9: memref<128x128xf32, #tpu.memory_space<vmem>>, %arg10: memref<128x128xf32, #tpu.memory_space<vmem>>, %arg11: memref<64x128xf32, #tpu.memory_space<vmem>>, %arg12: memref<!tpu.dma_semaphore, #tpu.memory_space<semaphore_mem>>, %arg13: memref<!tpu.dma_semaphore, #tpu.memory_space<semaphore_mem>>, %arg14: memref<!tpu.dma_semaphore, #tpu.memory_space<semaphore_mem>>, %arg15: memref<!tpu.dma_semaphore, #tpu.memory_space<semaphore_mem>>, %arg16: memref<!tpu.dma_semaphore, #tpu.memory_space<semaphore_mem>>, %arg17: memref<10240x128xf32, #tpu.memory_space<vmem_shared>>) attributes {dimension_semantics = [#tpu.dimension_semantics<core_parallel>, #tpu.dimension_semantics<subcore_parallel>], iteration_bounds = array<i64: 2, 16>, scalar_prefetch = 0 : i64, scratch_operands = 13 : i64, tpu.core_type = #tpu.core_type<sc_vector_subcore>, window_params = [{transform_indices = #map}, {transform_indices = #map1}, {transform_indices = #map2}]} {
    %mul3A = arith.constant 16 : i32
    %mul3A_0 = arith.muli %arg0, %mul3A : i32
    %add3A = arith.addi %mul3A_0, %arg1 : i32
    %broadcast_in_dim3A = arith.constant 0.000000e+00 : f32
    %broadcast_in_dim3A_1 = vector.broadcast %broadcast_in_dim3A : f32 to vector<16xf32>
    %scan3A = arith.constant 0 : i32
    %scan3A_2 = arith.constant 0 : i32
    %scan3A_3 = arith.constant 64 : i32
    %scan3A_4 = arith.addi %scan3A_2, %scan3A_3 : i32
    %scan3A_5 = arith.constant 1 : i32
    %scan3A_6 = scf.for %scan3A_210 = %scan3A_2 to %scan3A_4 step %scan3A_5 iter_args(%scan3A_211 = %scan3A) -> (i32)  : i32 {
      %swap3A = arith.index_cast %scan3A_210 : i32 to index
      %swap3A_212 = arith.constant 0 : index
      %swap3A_213 = tpu.vector_load %arg11[%swap3A, %swap3A_212] {strides = array<i32>} : memref<64x128xf32, #tpu.memory_space<vmem>>, vector<1x16xf32>,
      %swap3A_214 = vector.shape_cast %swap3A_213 : vector<1x16xf32> to vector<16xf32>
      %swap3A_215 = vector.shape_cast %broadcast_in_dim3A_1 : vector<16xf32> to vector<1x16xf32>
      tpu.vector_store %arg11[%swap3A, %swap3A_212], %swap3A_215 {strides = array<i32>} : memref<64x128xf32, #tpu.memory_space<vmem>>, vector<1x16xf32>,
      %swap3A_216 = arith.index_cast %scan3A_210 : i32 to index
      %swap3A_217 = arith.constant 16 : index
      %swap3A_218 = tpu.vector_load %arg11[%swap3A_216, %swap3A_217] {strides = array<i32>} : memref<64x128xf32, #tpu.memory_space<vmem>>, vector<1x16xf32>,
      %swap3A_219 = vector.shape_cast %swap3A_218 : vector<1x16xf32> to vector<16xf32>
      %swap3A_220 = vector.shape_cast %broadcast_in_dim3A_1 : vector<16xf32> to vector<1x16xf32>
      tpu.vector_store %arg11[%swap3A_216, %swap3A_217], %swap3A_220 {strides = array<i32>} : memref<64x128xf32, #tpu.memory_space<vmem>>, vector<1x16xf32>,
      %swap3A_221 = arith.index_cast %scan3A_210 : i32 to index
      %swap3A_222 = arith.constant 32 : index
      %swap3A_223 = tpu.vector_load %arg11[%swap3A_221, %swap3A_222] {strides = array<i32>} : memref<64x128xf32, #tpu.memory_space<vmem>>, vector<1x16xf32>,
      %swap3A_224 = vector.shape_cast %swap3A_223 : vector<1x16xf32> to vector<16xf32>
      %swap3A_225 = vector.shape_cast %broadcast_in_dim3A_1 : vector<16xf32> to vector<1x16xf32>
      tpu.vector_store %arg11[%swap3A_221, %swap3A_222], %swap3A_225 {strides = array<i32>} : memref<64x128xf32, #tpu.memory_space<vmem>>, vector<1x16xf32>,
      %swap3A_226 = arith.index_cast %scan3A_210 : i32 to index
      %swap3A_227 = arith.constant 48 : index
      %swap3A_228 = tpu.vector_load %arg11[%swap3A_226, %swap3A_227] {strides = array<i32>} : memref<64x128xf32, #tpu.memory_space<vmem>>, vector<1x16xf32>,
      %swap3A_229 = vector.shape_cast %swap3A_228 : vector<1x16xf32> to vector<16xf32>
      %swap3A_230 = vector.shape_cast %broadcast_in_dim3A_1 : vector<16xf32> to vector<1x16xf32>
      tpu.vector_store %arg11[%swap3A_226, %swap3A_227], %swap3A_230 {strides = array<i32>} : memref<64x128xf32, #tpu.memory_space<vmem>>, vector<1x16xf32>,
      %swap3A_231 = arith.index_cast %scan3A_210 : i32 to index
      %swap3A_232 = arith.constant 64 : index
      %swap3A_233 = tpu.vector_load %arg11[%swap3A_231, %swap3A_232] {strides = array<i32>} : memref<64x128xf32, #tpu.memory_space<vmem>>, vector<1x16xf32>,
      %swap3A_234 = vector.shape_cast %swap3A_233 : vector<1x16xf32> to vector<16xf32>
      %swap3A_235 = vector.shape_cast %broadcast_in_dim3A_1 : vector<16xf32> to vector<1x16xf32>
      tpu.vector_store %arg11[%swap3A_231, %swap3A_232], %swap3A_235 {strides = array<i32>} : memref<64x128xf32, #tpu.memory_space<vmem>>, vector<1x16xf32>,
      %swap3A_236 = arith.index_cast %scan3A_210 : i32 to index
      %swap3A_237 = arith.constant 80 : index
      %swap3A_238 = tpu.vector_load %arg11[%swap3A_236, %swap3A_237] {strides = array<i32>} : memref<64x128xf32, #tpu.memory_space<vmem>>, vector<1x16xf32>,
      %swap3A_239 = vector.shape_cast %swap3A_238 : vector<1x16xf32> to vector<16xf32>
      %swap3A_240 = vector.shape_cast %broadcast_in_dim3A_1 : vector<16xf32> to vector<1x16xf32>
      tpu.vector_store %arg11[%swap3A_236, %swap3A_237], %swap3A_240 {strides = array<i32>} : memref<64x128xf32, #tpu.memory_space<vmem>>, vector<1x16xf32>,
      %swap3A_241 = arith.index_cast %scan3A_210 : i32 to index
      %swap3A_242 = arith.constant 96 : index
      %swap3A_243 = tpu.vector_load %arg11[%swap3A_241, %swap3A_242] {strides = array<i32>} : memref<64x128xf32, #tpu.memory_space<vmem>>, vector<1x16xf32>,
      %swap3A_244 = vector.shape_cast %swap3A_243 : vector<1x16xf32> to vector<16xf32>
      %swap3A_245 = vector.shape_cast %broadcast_in_dim3A_1 : vector<16xf32> to vector<1x16xf32>
      tpu.vector_store %arg11[%swap3A_241, %swap3A_242], %swap3A_245 {strides = array<i32>} : memref<64x128xf32, #tpu.memory_space<vmem>>, vector<1x16xf32>,
      %swap3A_246 = arith.index_cast %scan3A_210 : i32 to index
      %swap3A_247 = arith.constant 112 : index
      %swap3A_248 = tpu.vector_load %arg11[%swap3A_246, %swap3A_247] {strides = array<i32>} : memref<64x128xf32, #tpu.memory_space<vmem>>, vector<1x16xf32>,
      %swap3A_249 = vector.shape_cast %swap3A_248 : vector<1x16xf32> to vector<16xf32>
      %swap3A_250 = vector.shape_cast %broadcast_in_dim3A_1 : vector<16xf32> to vector<1x16xf32>
      tpu.vector_store %arg11[%swap3A_246, %swap3A_247], %swap3A_250 {strides = array<i32>} : memref<64x128xf32, #tpu.memory_space<vmem>>, vector<1x16xf32>,
      %scan3A_251 = arith.constant 0 : i32
      scf.yield %scan3A_251 : i32
    }
    %scan3A_7 = arith.constant 64 : i32
    %mul3A_8 = arith.constant 640 : i32
    %mul3A_9 = arith.muli %arg1, %mul3A_8 : i32
    %add3A_10 = arith.constant 0 : i32
    %add3A_11 = arith.addi %mul3A_9, %add3A_10 : i32
    %dma_start3A = arith.constant 0 : i32
    %dma_start3A_12 = tpu.memref_slice %arg17[%add3A_11, %dma_start3A] : memref<10240x128xf32, #tpu.memory_space<vmem_shared>> -> memref<64x128xf32, #tpu.memory_space<vmem_shared>>
    %dma_start3A_13 = arith.constant 0 : i32
    %dma_start3A_14 = tpu.memref_slice %arg17[%add3A_11, %dma_start3A_13] : memref<10240x128xf32, #tpu.memory_space<vmem_shared>> -> memref<64x128xf32, #tpu.memory_space<vmem_shared>>
    tpu.enqueue_dma source(%arg11 : memref<64x128xf32, #tpu.memory_space<vmem>>) target(%dma_start3A_14 : memref<64x128xf32, #tpu.memory_space<vmem_shared>>) target_semaphore(%arg16 : memref<!tpu.dma_semaphore, #tpu.memory_space<semaphore_mem>>)
    %add3A_15 = arith.constant 64 : i32
    %add3A_16 = arith.addi %mul3A_9, %add3A_15 : i32
    %dma_start3A_17 = arith.constant 0 : i32
    %dma_start3A_18 = tpu.memref_slice %arg17[%add3A_16, %dma_start3A_17] : memref<10240x128xf32, #tpu.memory_space<vmem_shared>> -> memref<64x128xf32, #tpu.memory_space<vmem_shared>>
    %dma_start3A_19 = arith.constant 0 : i32
    %dma_start3A_20 = tpu.memref_slice %arg17[%add3A_16, %dma_start3A_19] : memref<10240x128xf32, #tpu.memory_space<vmem_shared>> -> memref<64x128xf32, #tpu.memory_space<vmem_shared>>
    tpu.enqueue_dma source(%arg11 : memref<64x128xf32, #tpu.memory_space<vmem>>) target(%dma_start3A_20 : memref<64x128xf32, #tpu.memory_space<vmem_shared>>) target_semaphore(%arg16 : memref<!tpu.dma_semaphore, #tpu.memory_space<semaphore_mem>>)
    %add3A_21 = arith.constant 128 : i32
    %add3A_22 = arith.addi %mul3A_9, %add3A_21 : i32
    %dma_start3A_23 = arith.constant 0 : i32
    %dma_start3A_24 = tpu.memref_slice %arg17[%add3A_22, %dma_start3A_23] : memref<10240x128xf32, #tpu.memory_space<vmem_shared>> -> memref<64x128xf32, #tpu.memory_space<vmem_shared>>
    %dma_start3A_25 = arith.constant 0 : i32
    %dma_start3A_26 = tpu.memref_slice %arg17[%add3A_22, %dma_start3A_25] : memref<10240x128xf32, #tpu.memory_space<vmem_shared>> -> memref<64x128xf32, #tpu.memory_space<vmem_shared>>
    tpu.enqueue_dma source(%arg11 : memref<64x128xf32, #tpu.memory_space<vmem>>) target(%dma_start3A_26 : memref<64x128xf32, #tpu.memory_space<vmem_shared>>) target_semaphore(%arg16 : memref<!tpu.dma_semaphore, #tpu.memory_space<semaphore_mem>>)
    %add3A_27 = arith.constant 192 : i32
    %add3A_28 = arith.addi %mul3A_9, %add3A_27 : i32
    %dma_start3A_29 = arith.constant 0 : i32
    %dma_start3A_30 = tpu.memref_slice %arg17[%add3A_28, %dma_start3A_29] : memref<10240x128xf32, #tpu.memory_space<vmem_shared>> -> memref<64x128xf32, #tpu.memory_space<vmem_shared>>
    %dma_start3A_31 = arith.constant 0 : i32
    %dma_start3A_32 = tpu.memref_slice %arg17[%add3A_28, %dma_start3A_31] : memref<10240x128xf32, #tpu.memory_space<vmem_shared>> -> memref<64x128xf32, #tpu.memory_space<vmem_shared>>
    tpu.enqueue_dma source(%arg11 : memref<64x128xf32, #tpu.memory_space<vmem>>) target(%dma_start3A_32 : memref<64x128xf32, #tpu.memory_space<vmem_shared>>) target_semaphore(%arg16 : memref<!tpu.dma_semaphore, #tpu.memory_space<semaphore_mem>>)
    %add3A_33 = arith.constant 256 : i32
    %add3A_34 = arith.addi %mul3A_9, %add3A_33 : i32
    %dma_start3A_35 = arith.constant 0 : i32
    %dma_start3A_36 = tpu.memref_slice %arg17[%add3A_34, %dma_start3A_35] : memref<10240x128xf32, #tpu.memory_space<vmem_shared>> -> memref<64x128xf32, #tpu.memory_space<vmem_shared>>
    %dma_start3A_37 = arith.constant 0 : i32
    %dma_start3A_38 = tpu.memref_slice %arg17[%add3A_34, %dma_start3A_37] : memref<10240x128xf32, #tpu.memory_space<vmem_shared>> -> memref<64x128xf32, #tpu.memory_space<vmem_shared>>
    tpu.enqueue_dma source(%arg11 : memref<64x128xf32, #tpu.memory_space<vmem>>) target(%dma_start3A_38 : memref<64x128xf32, #tpu.memory_space<vmem_shared>>) target_semaphore(%arg16 : memref<!tpu.dma_semaphore, #tpu.memory_space<semaphore_mem>>)
    %add3A_39 = arith.constant 320 : i32
    %add3A_40 = arith.addi %mul3A_9, %add3A_39 : i32
    %dma_start3A_41 = arith.constant 0 : i32
    %dma_start3A_42 = tpu.memref_slice %arg17[%add3A_40, %dma_start3A_41] : memref<10240x128xf32, #tpu.memory_space<vmem_shared>> -> memref<64x128xf32, #tpu.memory_space<vmem_shared>>
    %dma_start3A_43 = arith.constant 0 : i32
    %dma_start3A_44 = tpu.memref_slice %arg17[%add3A_40, %dma_start3A_43] : memref<10240x128xf32, #tpu.memory_space<vmem_shared>> -> memref<64x128xf32, #tpu.memory_space<vmem_shared>>
    tpu.enqueue_dma source(%arg11 : memref<64x128xf32, #tpu.memory_space<vmem>>) target(%dma_start3A_44 : memref<64x128xf32, #tpu.memory_space<vmem_shared>>) target_semaphore(%arg16 : memref<!tpu.dma_semaphore, #tpu.memory_space<semaphore_mem>>)
    %add3A_45 = arith.constant 384 : i32
    %add3A_46 = arith.addi %mul3A_9, %add3A_45 : i32
    %dma_start3A_47 = arith.constant 0 : i32
    %dma_start3A_48 = tpu.memref_slice %arg17[%add3A_46, %dma_start3A_47] : memref<10240x128xf32, #tpu.memory_space<vmem_shared>> -> memref<64x128xf32, #tpu.memory_space<vmem_shared>>
    %dma_start3A_49 = arith.constant 0 : i32
    %dma_start3A_50 = tpu.memref_slice %arg17[%add3A_46, %dma_start3A_49] : memref<10240x128xf32, #tpu.memory_space<vmem_shared>> -> memref<64x128xf32, #tpu.memory_space<vmem_shared>>
    tpu.enqueue_dma source(%arg11 : memref<64x128xf32, #tpu.memory_space<vmem>>) target(%dma_start3A_50 : memref<64x128xf32, #tpu.memory_space<vmem_shared>>) target_semaphore(%arg16 : memref<!tpu.dma_semaphore, #tpu.memory_space<semaphore_mem>>)
    %add3A_51 = arith.constant 448 : i32
    %add3A_52 = arith.addi %mul3A_9, %add3A_51 : i32
    %dma_start3A_53 = arith.constant 0 : i32
    %dma_start3A_54 = tpu.memref_slice %arg17[%add3A_52, %dma_start3A_53] : memref<10240x128xf32, #tpu.memory_space<vmem_shared>> -> memref<64x128xf32, #tpu.memory_space<vmem_shared>>
    %dma_start3A_55 = arith.constant 0 : i32
    %dma_start3A_56 = tpu.memref_slice %arg17[%add3A_52, %dma_start3A_55] : memref<10240x128xf32, #tpu.memory_space<vmem_shared>> -> memref<64x128xf32, #tpu.memory_space<vmem_shared>>
    tpu.enqueue_dma source(%arg11 : memref<64x128xf32, #tpu.memory_space<vmem>>) target(%dma_start3A_56 : memref<64x128xf32, #tpu.memory_space<vmem_shared>>) target_semaphore(%arg16 : memref<!tpu.dma_semaphore, #tpu.memory_space<semaphore_mem>>)
    %add3A_57 = arith.constant 512 : i32
    %add3A_58 = arith.addi %mul3A_9, %add3A_57 : i32
    %dma_start3A_59 = arith.constant 0 : i32
    %dma_start3A_60 = tpu.memref_slice %arg17[%add3A_58, %dma_start3A_59] : memref<10240x128xf32, #tpu.memory_space<vmem_shared>> -> memref<64x128xf32, #tpu.memory_space<vmem_shared>>
    %dma_start3A_61 = arith.constant 0 : i32
    %dma_start3A_62 = tpu.memref_slice %arg17[%add3A_58, %dma_start3A_61] : memref<10240x128xf32, #tpu.memory_space<vmem_shared>> -> memref<64x128xf32, #tpu.memory_space<vmem_shared>>
    tpu.enqueue_dma source(%arg11 : memref<64x128xf32, #tpu.memory_space<vmem>>) target(%dma_start3A_62 : memref<64x128xf32, #tpu.memory_space<vmem_shared>>) target_semaphore(%arg16 : memref<!tpu.dma_semaphore, #tpu.memory_space<semaphore_mem>>)
    %add3A_63 = arith.constant 576 : i32
    %add3A_64 = arith.addi %mul3A_9, %add3A_63 : i32
    %dma_start3A_65 = arith.constant 0 : i32
    %dma_start3A_66 = tpu.memref_slice %arg17[%add3A_64, %dma_start3A_65] : memref<10240x128xf32, #tpu.memory_space<vmem_shared>> -> memref<64x128xf32, #tpu.memory_space<vmem_shared>>
    %dma_start3A_67 = arith.constant 0 : i32
    %dma_start3A_68 = tpu.memref_slice %arg17[%add3A_64, %dma_start3A_67] : memref<10240x128xf32, #tpu.memory_space<vmem_shared>> -> memref<64x128xf32, #tpu.memory_space<vmem_shared>>
    tpu.enqueue_dma source(%arg11 : memref<64x128xf32, #tpu.memory_space<vmem>>) target(%dma_start3A_68 : memref<64x128xf32, #tpu.memory_space<vmem_shared>>) target_semaphore(%arg16 : memref<!tpu.dma_semaphore, #tpu.memory_space<semaphore_mem>>)
    %dma_start3A_69 = arith.constant 0 : i32
    %dma_start3A_70 = arith.constant 0 : i32
    %dma_start3A_71 = arith.constant 0 : i32
    %dma_start3A_72 = arith.constant 0 : i32
    %dma_start3A_73 = tpu.memref_slice %arg3[%dma_start3A_69, %add3A, %dma_start3A_70, %dma_start3A_71, %dma_start3A_72] : memref<2x32x10x8x128xi32, #tpu.memory_space<hbm>> -> memref<1x1x1x8x128xi32, #tpu.memory_space<hbm>>
    %dma_start3A_74 = tpu.memref_squeeze %dma_start3A_73 : memref<1x1x1x8x128xi32, #tpu.memory_space<hbm>> -> memref<8x128xi32, #tpu.memory_space<hbm>>
    %dma_start3A_75 = arith.constant 0 : i32
    %dma_start3A_76 = arith.constant 0 : i32
    %dma_start3A_77 = tpu.memref_slice %arg3[%dma_start3A_69, %add3A, %dma_start3A_70, %dma_start3A_75, %dma_start3A_76] : memref<2x32x10x8x128xi32, #tpu.memory_space<hbm>> -> memref<1x1x1x8x128xi32, #tpu.memory_space<hbm>>
    %dma_start3A_78 = tpu.memref_squeeze %dma_start3A_77 : memref<1x1x1x8x128xi32, #tpu.memory_space<hbm>> -> memref<8x128xi32, #tpu.memory_space<hbm>>
    tpu.enqueue_dma source(%dma_start3A_78 : memref<8x128xi32, #tpu.memory_space<hbm>>) target(%arg5 : memref<8x128xi32, #tpu.memory_space<vmem>>) target_semaphore(%arg12 : memref<!tpu.dma_semaphore, #tpu.memory_space<semaphore_mem>>)
    %dma_start3A_79 = arith.constant 1 : i32
    %dma_start3A_80 = arith.constant 0 : i32
    %dma_start3A_81 = arith.constant 0 : i32
    %dma_start3A_82 = arith.constant 0 : i32
    %dma_start3A_83 = tpu.memref_slice %arg3[%dma_start3A_79, %add3A, %dma_start3A_80, %dma_start3A_81, %dma_start3A_82] : memref<2x32x10x8x128xi32, #tpu.memory_space<hbm>> -> memref<1x1x1x8x128xi32, #tpu.memory_space<hbm>>
    %dma_start3A_84 = tpu.memref_squeeze %dma_start3A_83 : memref<1x1x1x8x128xi32, #tpu.memory_space<hbm>> -> memref<8x128xi32, #tpu.memory_space<hbm>>
    %dma_start3A_85 = arith.constant 0 : i32
    %dma_start3A_86 = arith.constant 0 : i32
    %dma_start3A_87 = tpu.memref_slice %arg3[%dma_start3A_79, %add3A, %dma_start3A_80, %dma_start3A_85, %dma_start3A_86] : memref<2x32x10x8x128xi32, #tpu.memory_space<hbm>> -> memref<1x1x1x8x128xi32, #tpu.memory_space<hbm>>
    %dma_start3A_88 = tpu.memref_squeeze %dma_start3A_87 : memref<1x1x1x8x128xi32, #tpu.memory_space<hbm>> -> memref<8x128xi32, #tpu.memory_space<hbm>>
    tpu.enqueue_dma source(%dma_start3A_88 : memref<8x128xi32, #tpu.memory_space<hbm>>) target(%arg6 : memref<8x128xi32, #tpu.memory_space<vmem>>) target_semaphore(%arg12 : memref<!tpu.dma_semaphore, #tpu.memory_space<semaphore_mem>>)
    %dma_wait3A = arith.constant 0 : i32
    %dma_wait3A_89 = arith.constant 0 : i32
    %dma_wait3A_90 = arith.constant 0 : i32
    %dma_wait3A_91 = arith.constant 0 : i32
    %dma_wait3A_92 = tpu.memref_slice %arg3[%dma_wait3A, %add3A, %dma_wait3A_89, %dma_wait3A_90, %dma_wait3A_91] : memref<2x32x10x8x128xi32, #tpu.memory_space<hbm>> -> memref<1x1x1x8x128xi32, #tpu.memory_space<hbm>>
    %dma_wait3A_93 = tpu.memref_squeeze %dma_wait3A_92 : memref<1x1x1x8x128xi32, #tpu.memory_space<hbm>> -> memref<8x128xi32, #tpu.memory_space<hbm>>
    %dma_wait3A_94 = arith.constant 0 : i32
    %dma_wait3A_95 = arith.constant 0 : i32
    %dma_wait3A_96 = tpu.memref_slice %arg3[%dma_wait3A, %add3A, %dma_wait3A_89, %dma_wait3A_94, %dma_wait3A_95] : memref<2x32x10x8x128xi32, #tpu.memory_space<hbm>> -> memref<1x1x1x8x128xi32, #tpu.memory_space<hbm>>
    %dma_wait3A_97 = tpu.memref_squeeze %dma_wait3A_96 : memref<1x1x1x8x128xi32, #tpu.memory_space<hbm>> -> memref<8x128xi32, #tpu.memory_space<hbm>>
    tpu.wait_dma2 semaphore(%arg12 : memref<!tpu.dma_semaphore, #tpu.memory_space<semaphore_mem>>) src(%dma_wait3A_97 : memref<8x128xi32, #tpu.memory_space<hbm>>) dst(%arg5 : memref<8x128xi32, #tpu.memory_space<vmem>>)
    %dma_wait3A_98 = arith.constant 1 : i32
    %dma_wait3A_99 = arith.constant 0 : i32
    %dma_wait3A_100 = arith.constant 0 : i32
    %dma_wait3A_101 = arith.constant 0 : i32
    %dma_wait3A_102 = tpu.memref_slice %arg3[%dma_wait3A_98, %add3A, %dma_wait3A_99, %dma_wait3A_100, %dma_wait3A_101] : memref<2x32x10x8x128xi32, #tpu.memory_space<hbm>> -> memref<1x1x1x8x128xi32, #tpu.memory_space<hbm>>
    %dma_wait3A_103 = tpu.memref_squeeze %dma_wait3A_102 : memref<1x1x1x8x128xi32, #tpu.memory_space<hbm>> -> memref<8x128xi32, #tpu.memory_space<hbm>>
    %dma_wait3A_104 = arith.constant 0 : i32
    %dma_wait3A_105 = arith.constant 0 : i32
    %dma_wait3A_106 = tpu.memref_slice %arg3[%dma_wait3A_98, %add3A, %dma_wait3A_99, %dma_wait3A_104, %dma_wait3A_105] : memref<2x32x10x8x128xi32, #tpu.memory_space<hbm>> -> memref<1x1x1x8x128xi32, #tpu.memory_space<hbm>>
    %dma_wait3A_107 = tpu.memref_squeeze %dma_wait3A_106 : memref<1x1x1x8x128xi32, #tpu.memory_space<hbm>> -> memref<8x128xi32, #tpu.memory_space<hbm>>
    tpu.wait_dma2 semaphore(%arg12 : memref<!tpu.dma_semaphore, #tpu.memory_space<semaphore_mem>>) src(%dma_wait3A_107 : memref<8x128xi32, #tpu.memory_space<hbm>>) dst(%arg6 : memref<8x128xi32, #tpu.memory_space<vmem>>)
    %dma_start3A_108 = arith.constant 0 : i32
    %dma_start3A_109 = arith.constant 1 : i32
    %dma_start3A_110 = arith.constant 0 : i32
    %dma_start3A_111 = arith.constant 0 : i32
    %dma_start3A_112 = tpu.memref_slice %arg3[%dma_start3A_108, %add3A, %dma_start3A_109, %dma_start3A_110, %dma_start3A_111] : memref<2x32x10x8x128xi32, #tpu.memory_space<hbm>> -> memref<1x1x1x8x128xi32, #tpu.memory_space<hbm>>
    %dma_start3A_113 = tpu.memref_squeeze %dma_start3A_112 : memref<1x1x1x8x128xi32, #tpu.memory_space<hbm>> -> memref<8x128xi32, #tpu.memory_space<hbm>>
    %dma_start3A_114 = arith.constant 0 : i32
    %dma_start3A_115 = arith.constant 0 : i32
    %dma_start3A_116 = tpu.memref_slice %arg3[%dma_start3A_108, %add3A, %dma_start3A_109, %dma_start3A_114, %dma_start3A_115] : memref<2x32x10x8x128xi32, #tpu.memory_space<hbm>> -> memref<1x1x1x8x128xi32, #tpu.memory_space<hbm>>
    %dma_start3A_117 = tpu.memref_squeeze %dma_start3A_116 : memref<1x1x1x8x128xi32, #tpu.memory_space<hbm>> -> memref<8x128xi32, #tpu.memory_space<hbm>>
    tpu.enqueue_dma source(%dma_start3A_117 : memref<8x128xi32, #tpu.memory_space<hbm>>) target(%arg7 : memref<8x128xi32, #tpu.memory_space<vmem>>) target_semaphore(%arg13 : memref<!tpu.dma_semaphore, #tpu.memory_space<semaphore_mem>>)
    %dma_start3A_118 = arith.constant 1 : i32
    %dma_start3A_119 = arith.constant 1 : i32
    %dma_start3A_120 = arith.constant 0 : i32
    %dma_start3A_121 = arith.constant 0 : i32
    %dma_start3A_122 = tpu.memref_slice %arg3[%dma_start3A_118, %add3A, %dma_start3A_119, %dma_start3A_120, %dma_start3A_121] : memref<2x32x10x8x128xi32, #tpu.memory_space<hbm>> -> memref<1x1x1x8x128xi32, #tpu.memory_space<hbm>>
    %dma_start3A_123 = tpu.memref_squeeze %dma_start3A_122 : memref<1x1x1x8x128xi32, #tpu.memory_space<hbm>> -> memref<8x128xi32, #tpu.memory_space<hbm>>
    %dma_start3A_124 = arith.constant 0 : i32
    %dma_start3A_125 = arith.constant 0 : i32
    %dma_start3A_126 = tpu.memref_slice %arg3[%dma_start3A_118, %add3A, %dma_start3A_119, %dma_start3A_124, %dma_start3A_125] : memref<2x32x10x8x128xi32, #tpu.memory_space<hbm>> -> memref<1x1x1x8x128xi32, #tpu.memory_space<hbm>>
    %dma_start3A_127 = tpu.memref_squeeze %dma_start3A_126 : memref<1x1x1x8x128xi32, #tpu.memory_space<hbm>> -> memref<8x128xi32, #tpu.memory_space<hbm>>
    tpu.enqueue_dma source(%dma_start3A_127 : memref<8x128xi32, #tpu.memory_space<hbm>>) target(%arg8 : memref<8x128xi32, #tpu.memory_space<vmem>>) target_semaphore(%arg13 : memref<!tpu.dma_semaphore, #tpu.memory_space<semaphore_mem>>)
    %dma_start3A_128 = arith.constant 0 : i32
    %dma_start3A_129 = arith.constant 0 : i32
    %dma_start3A_130 = tpu.memref_slice %arg5[%dma_start3A_128, %dma_start3A_129] : memref<8x128xi32, #tpu.memory_space<vmem>> -> memref<1x128xi32, #tpu.memory_space<vmem>>
    %dma_start3A_131 = tpu.memref_squeeze %dma_start3A_130 : memref<1x128xi32, #tpu.memory_space<vmem>> -> memref<128xi32, #tpu.memory_space<vmem>>
    %dma_start3A_132 = arith.constant 0 : i32
    %dma_start3A_133 = arith.constant 0 : i32
    %dma_start3A_134 = tpu.memref_slice %arg2[%dma_start3A_132, %dma_start3A_133] : memref<10000x128xf32, #tpu.memory_space<hbm>> -> memref<10000x128xf32, #tpu.memory_space<hbm>>
    tpu.enqueue_indirect_dma source(%dma_start3A_134 : memref<10000x128xf32, #tpu.memory_space<hbm>>) target(%arg9 : memref<128x128xf32, #tpu.memory_space<vmem>>) offsets(%dma_start3A_131 : memref<128xi32, #tpu.memory_space<vmem>>) semaphore(%arg14 : memref<!tpu.dma_semaphore, #tpu.memory_space<semaphore_mem>>)
    %dma_start3A_135 = arith.constant 1 : i32
    %dma_start3A_136 = arith.constant 0 : i32
    %dma_start3A_137 = tpu.memref_slice %arg5[%dma_start3A_135, %dma_start3A_136] : memref<8x128xi32, #tpu.memory_space<vmem>> -> memref<1x128xi32, #tpu.memory_space<vmem>>
    %dma_start3A_138 = tpu.memref_squeeze %dma_start3A_137 : memref<1x128xi32, #tpu.memory_space<vmem>> -> memref<128xi32, #tpu.memory_space<vmem>>
    %dma_start3A_139 = arith.constant 0 : i32
    %dma_start3A_140 = arith.constant 0 : i32
    %dma_start3A_141 = tpu.memref_slice %arg2[%dma_start3A_139, %dma_start3A_140] : memref<10000x128xf32, #tpu.memory_space<hbm>> -> memref<10000x128xf32, #tpu.memory_space<hbm>>
    tpu.enqueue_indirect_dma source(%dma_start3A_141 : memref<10000x128xf32, #tpu.memory_space<hbm>>) target(%arg10 : memref<128x128xf32, #tpu.memory_space<vmem>>) offsets(%dma_start3A_138 : memref<128xi32, #tpu.memory_space<vmem>>) semaphore(%arg15 : memref<!tpu.dma_semaphore, #tpu.memory_space<semaphore_mem>>)
    %add3A_142 = arith.constant 0 : i32
    %add3A_143 = arith.addi %mul3A_9, %add3A_142 : i32
    %dma_wait3A_144 = arith.constant 0 : i32
    %dma_wait3A_145 = tpu.memref_slice %arg17[%add3A_143, %dma_wait3A_144] : memref<10240x128xf32, #tpu.memory_space<vmem_shared>> -> memref<64x128xf32, #tpu.memory_space<vmem_shared>>
    %dma_wait3A_146 = arith.constant 0 : i32
    %dma_wait3A_147 = tpu.memref_slice %arg17[%add3A_143, %dma_wait3A_146] : memref<10240x128xf32, #tpu.memory_space<vmem_shared>> -> memref<64x128xf32, #tpu.memory_space<vmem_shared>>
    tpu.wait_dma2 semaphore(%arg16 : memref<!tpu.dma_semaphore, #tpu.memory_space<semaphore_mem>>) src(%arg11 : memref<64x128xf32, #tpu.memory_space<vmem>>) dst(%dma_wait3A_147 : memref<64x128xf32, #tpu.memory_space<vmem_shared>>)
    %add3A_148 = arith.constant 64 : i32
    %add3A_149 = arith.addi %mul3A_9, %add3A_148 : i32
    %dma_wait3A_150 = arith.constant 0 : i32
    %dma_wait3A_151 = tpu.memref_slice %arg17[%add3A_149, %dma_wait3A_150] : memref<10240x128xf32, #tpu.memory_space<vmem_shared>> -> memref<64x128xf32, #tpu.memory_space<vmem_shared>>
    %dma_wait3A_152 = arith.constant 0 : i32
    %dma_wait3A_153 = tpu.memref_slice %arg17[%add3A_149, %dma_wait3A_152] : memref<10240x128xf32, #tpu.memory_space<vmem_shared>> -> memref<64x128xf32, #tpu.memory_space<vmem_shared>>
    tpu.wait_dma2 semaphore(%arg16 : memref<!tpu.dma_semaphore, #tpu.memory_space<semaphore_mem>>) src(%arg11 : memref<64x128xf32, #tpu.memory_space<vmem>>) dst(%dma_wait3A_153 : memref<64x128xf32, #tpu.memory_space<vmem_shared>>)
    %add3A_154 = arith.constant 128 : i32
    %add3A_155 = arith.addi %mul3A_9, %add3A_154 : i32
    %dma_wait3A_156 = arith.constant 0 : i32
    %dma_wait3A_157 = tpu.memref_slice %arg17[%add3A_155, %dma_wait3A_156] : memref<10240x128xf32, #tpu.memory_space<vmem_shared>> -> memref<64x128xf32, #tpu.memory_space<vmem_shared>>
    %dma_wait3A_158 = arith.constant 0 : i32
    %dma_wait3A_159 = tpu.memref_slice %arg17[%add3A_155, %dma_wait3A_158] : memref<10240x128xf32, #tpu.memory_space<vmem_shared>> -> memref<64x128xf32, #tpu.memory_space<vmem_shared>>
    tpu.wait_dma2 semaphore(%arg16 : memref<!tpu.dma_semaphore, #tpu.memory_space<semaphore_mem>>) src(%arg11 : memref<64x128xf32, #tpu.memory_space<vmem>>) dst(%dma_wait3A_159 : memref<64x128xf32, #tpu.memory_space<vmem_shared>>)
    %add3A_160 = arith.constant 192 : i32
    %add3A_161 = arith.addi %mul3A_9, %add3A_160 : i32
    %dma_wait3A_162 = arith.constant 0 : i32
    %dma_wait3A_163 = tpu.memref_slice %arg17[%add3A_161, %dma_wait3A_162] : memref<10240x128xf32, #tpu.memory_space<vmem_shared>> -> memref<64x128xf32, #tpu.memory_space<vmem_shared>>
    %dma_wait3A_164 = arith.constant 0 : i32
    %dma_wait3A_165 = tpu.memref_slice %arg17[%add3A_161, %dma_wait3A_164] : memref<10240x128xf32, #tpu.memory_space<vmem_shared>> -> memref<64x128xf32, #tpu.memory_space<vmem_shared>>
    tpu.wait_dma2 semaphore(%arg16 : memref<!tpu.dma_semaphore, #tpu.memory_space<semaphore_mem>>) src(%arg11 : memref<64x128xf32, #tpu.memory_space<vmem>>) dst(%dma_wait3A_165 : memref<64x128xf32, #tpu.memory_space<vmem_shared>>)
    %add3A_166 = arith.constant 256 : i32
    %add3A_167 = arith.addi %mul3A_9, %add3A_166 : i32
    %dma_wait3A_168 = arith.constant 0 : i32
    %dma_wait3A_169 = tpu.memref_slice %arg17[%add3A_167, %dma_wait3A_168] : memref<10240x128xf32, #tpu.memory_space<vmem_shared>> -> memref<64x128xf32, #tpu.memory_space<vmem_shared>>
    %dma_wait3A_170 = arith.constant 0 : i32
    %dma_wait3A_171 = tpu.memref_slice %arg17[%add3A_167, %dma_wait3A_170] : memref<10240x128xf32, #tpu.memory_space<vmem_shared>> -> memref<64x128xf32, #tpu.memory_space<vmem_shared>>
    tpu.wait_dma2 semaphore(%arg16 : memref<!tpu.dma_semaphore, #tpu.memory_space<semaphore_mem>>) src(%arg11 : memref<64x128xf32, #tpu.memory_space<vmem>>) dst(%dma_wait3A_171 : memref<64x128xf32, #tpu.memory_space<vmem_shared>>)
    %add3A_172 = arith.constant 320 : i32
    %add3A_173 = arith.addi %mul3A_9, %add3A_172 : i32
    %dma_wait3A_174 = arith.constant 0 : i32
    %dma_wait3A_175 = tpu.memref_slice %arg17[%add3A_173, %dma_wait3A_174] : memref<10240x128xf32, #tpu.memory_space<vmem_shared>> -> memref<64x128xf32, #tpu.memory_space<vmem_shared>>
    %dma_wait3A_176 = arith.constant 0 : i32
    %dma_wait3A_177 = tpu.memref_slice %arg17[%add3A_173, %dma_wait3A_176] : memref<10240x128xf32, #tpu.memory_space<vmem_shared>> -> memref<64x128xf32, #tpu.memory_space<vmem_shared>>
    tpu.wait_dma2 semaphore(%arg16 : memref<!tpu.dma_semaphore, #tpu.memory_space<semaphore_mem>>) src(%arg11 : memref<64x128xf32, #tpu.memory_space<vmem>>) dst(%dma_wait3A_177 : memref<64x128xf32, #tpu.memory_space<vmem_shared>>)
    %add3A_178 = arith.constant 384 : i32
    %add3A_179 = arith.addi %mul3A_9, %add3A_178 : i32
    %dma_wait3A_180 = arith.constant 0 : i32
    %dma_wait3A_181 = tpu.memref_slice %arg17[%add3A_179, %dma_wait3A_180] : memref<10240x128xf32, #tpu.memory_space<vmem_shared>> -> memref<64x128xf32, #tpu.memory_space<vmem_shared>>
    %dma_wait3A_182 = arith.constant 0 : i32
    %dma_wait3A_183 = tpu.memref_slice %arg17[%add3A_179, %dma_wait3A_182] : memref<10240x128xf32, #tpu.memory_space<vmem_shared>> -> memref<64x128xf32, #tpu.memory_space<vmem_shared>>
    tpu.wait_dma2 semaphore(%arg16 : memref<!tpu.dma_semaphore, #tpu.memory_space<semaphore_mem>>) src(%arg11 : memref<64x128xf32, #tpu.memory_space<vmem>>) dst(%dma_wait3A_183 : memref<64x128xf32, #tpu.memory_space<vmem_shared>>)
    %add3A_184 = arith.constant 448 : i32
    %add3A_185 = arith.addi %mul3A_9, %add3A_184 : i32
    %dma_wait3A_186 = arith.constant 0 : i32
    %dma_wait3A_187 = tpu.memref_slice %arg17[%add3A_185, %dma_wait3A_186] : memref<10240x128xf32, #tpu.memory_space<vmem_shared>> -> memref<64x128xf32, #tpu.memory_space<vmem_shared>>
    %dma_wait3A_188 = arith.constant 0 : i32
    %dma_wait3A_189 = tpu.memref_slice %arg17[%add3A_185, %dma_wait3A_188] : memref<10240x128xf32, #tpu.memory_space<vmem_shared>> -> memref<64x128xf32, #tpu.memory_space<vmem_shared>>
    tpu.wait_dma2 semaphore(%arg16 : memref<!tpu.dma_semaphore, #tpu.memory_space<semaphore_mem>>) src(%arg11 : memref<64x128xf32, #tpu.memory_space<vmem>>) dst(%dma_wait3A_189 : memref<64x128xf32, #tpu.memory_space<vmem_shared>>)
    %add3A_190 = arith.constant 512 : i32
    %add3A_191 = arith.addi %mul3A_9, %add3A_190 : i32
    %dma_wait3A_192 = arith.constant 0 : i32
    %dma_wait3A_193 = tpu.memref_slice %arg17[%add3A_191, %dma_wait3A_192] : memref<10240x128xf32, #tpu.memory_space<vmem_shared>> -> memref<64x128xf32, #tpu.memory_space<vmem_shared>>
    %dma_wait3A_194 = arith.constant 0 : i32
    %dma_wait3A_195 = tpu.memref_slice %arg17[%add3A_191, %dma_wait3A_194] : memref<10240x128xf32, #tpu.memory_space<vmem_shared>> -> memref<64x128xf32, #tpu.memory_space<vmem_shared>>
    tpu.wait_dma2 semaphore(%arg16 : memref<!tpu.dma_semaphore, #tpu.memory_space<semaphore_mem>>) src(%arg11 : memref<64x128xf32, #tpu.memory_space<vmem>>) dst(%dma_wait3A_195 : memref<64x128xf32, #tpu.memory_space<vmem_shared>>)
    %add3A_196 = arith.constant 576 : i32
    %add3A_197 = arith.addi %mul3A_9, %add3A_196 : i32
    %dma_wait3A_198 = arith.constant 0 : i32
    %dma_wait3A_199 = tpu.memref_slice %arg17[%add3A_197, %dma_wait3A_198] : memref<10240x128xf32, #tpu.memory_space<vmem_shared>> -> memref<64x128xf32, #tpu.memory_space<vmem_shared>>
    %dma_wait3A_200 = arith.constant 0 : i32
    %dma_wait3A_201 = tpu.memref_slice %arg17[%add3A_197, %dma_wait3A_200] : memref<10240x128xf32, #tpu.memory_space<vmem_shared>> -> memref<64x128xf32, #tpu.memory_space<vmem_shared>>
    tpu.wait_dma2 semaphore(%arg16 : memref<!tpu.dma_semaphore, #tpu.memory_space<semaphore_mem>>) src(%arg11 : memref<64x128xf32, #tpu.memory_space<vmem>>) dst(%dma_wait3A_201 : memref<64x128xf32, #tpu.memory_space<vmem_shared>>)
    %barrier3A = arith.constant 0 : index
    tpu.barrier barrier_id(%barrier3A)
    %scan3A_202 = arith.constant 0 : i32
    %scan3A_203 = arith.constant 0 : i32
    %scan3A_204 = arith.constant 5 : i32
    %scan3A_205 = arith.addi %scan3A_203, %scan3A_204 : i32
    %scan3A_206 = arith.constant 1 : i32
    %scan3A_207 = scf.for %scan3A_210 = %scan3A_203 to %scan3A_205 step %scan3A_206 iter_args(%scan3A_211 = %scan3A_202) -> (i32)  : i32 {
      %mul3A_212 = arith.constant 2 : i32
      %mul3A_213 = arith.muli %mul3A_212, %scan3A_210 : i32
      %add3A_214 = arith.constant 0 : i32
      %add3A_215 = arith.addi %mul3A_213, %add3A_214 : i32
      %dma_wait3A_216 = arith.constant 0 : i32
      %dma_wait3A_217 = arith.constant 0 : i32
      %dma_wait3A_218 = tpu.memref_slice %arg5[%dma_wait3A_216, %dma_wait3A_217] : memref<8x128xi32, #tpu.memory_space<vmem>> -> memref<1x128xi32, #tpu.memory_space<vmem>>
      %dma_wait3A_219 = tpu.memref_squeeze %dma_wait3A_218 : memref<1x128xi32, #tpu.memory_space<vmem>> -> memref<128xi32, #tpu.memory_space<vmem>>
      %dma_wait3A_220 = arith.constant 0 : i32
      %dma_wait3A_221 = arith.constant 0 : i32
      %dma_wait3A_222 = tpu.memref_slice %arg2[%dma_wait3A_220, %dma_wait3A_221] : memref<10000x128xf32, #tpu.memory_space<hbm>> -> memref<10000x128xf32, #tpu.memory_space<hbm>>
      tpu.wait_indirect_dma semaphore(%arg14 : memref<!tpu.dma_semaphore, #tpu.memory_space<semaphore_mem>>) src(%dma_wait3A_222 : memref<10000x128xf32, #tpu.memory_space<hbm>>) dst(%arg9 : memref<128x128xf32, #tpu.memory_space<vmem>>)
      %run_scoped3A = arith.constant 0 : i32
      "tpu.region"() ({
        %run_scoped3A_485 = tpu.sem_alloc : memref<!tpu.dma_semaphore, #tpu.memory_space<semaphore_mem>>
        %dma_start3A_486 = arith.constant 0 : i32
        %dma_start3A_487 = tpu.memref_slice %arg6[%run_scoped3A, %dma_start3A_486] : memref<8x128xi32, #tpu.memory_space<vmem>> -> memref<1x128xi32, #tpu.memory_space<vmem>>
        %dma_start3A_488 = tpu.memref_squeeze %dma_start3A_487 : memref<1x128xi32, #tpu.memory_space<vmem>> -> memref<128xi32, #tpu.memory_space<vmem>>
        %dma_start3A_489 = arith.constant 0 : i32
        %dma_start3A_490 = arith.constant 0 : i32
        %dma_start3A_491 = tpu.memref_slice %arg17[%dma_start3A_489, %dma_start3A_490] : memref<10240x128xf32, #tpu.memory_space<vmem_shared>> -> memref<10240x128xf32, #tpu.memory_space<vmem_shared>>
        tpu.enqueue_indirect_dma source(%arg9 : memref<128x128xf32, #tpu.memory_space<vmem>>) target(%dma_start3A_491 : memref<10240x128xf32, #tpu.memory_space<vmem_shared>>) offsets(%dma_start3A_488 : memref<128xi32, #tpu.memory_space<vmem>>) semaphore(%run_scoped3A_485 : memref<!tpu.dma_semaphore, #tpu.memory_space<semaphore_mem>>) {add = true}
        %dma_wait3A_492 = arith.constant 0 : i32
        %dma_wait3A_493 = tpu.memref_slice %arg6[%run_scoped3A, %dma_wait3A_492] : memref<8x128xi32, #tpu.memory_space<vmem>> -> memref<1x128xi32, #tpu.memory_space<vmem>>
        %dma_wait3A_494 = tpu.memref_squeeze %dma_wait3A_493 : memref<1x128xi32, #tpu.memory_space<vmem>> -> memref<128xi32, #tpu.memory_space<vmem>>
        %dma_wait3A_495 = arith.constant 0 : i32
        %dma_wait3A_496 = arith.constant 0 : i32
        %dma_wait3A_497 = tpu.memref_slice %arg17[%dma_wait3A_495, %dma_wait3A_496] : memref<10240x128xf32, #tpu.memory_space<vmem_shared>> -> memref<10240x128xf32, #tpu.memory_space<vmem_shared>>
        tpu.wait_indirect_dma semaphore(%run_scoped3A_485 : memref<!tpu.dma_semaphore, #tpu.memory_space<semaphore_mem>>) src(%arg9 : memref<128x128xf32, #tpu.memory_space<vmem>>) dst(%dma_wait3A_497 : memref<10240x128xf32, #tpu.memory_space<vmem_shared>>)
        tpu.yield
      }) : () -> ()
      %dma_start3A_223 = arith.constant 2 : i32
      %dma_start3A_224 = arith.constant 0 : i32
      %dma_start3A_225 = tpu.memref_slice %arg5[%dma_start3A_223, %dma_start3A_224] : memref<8x128xi32, #tpu.memory_space<vmem>> -> memref<1x128xi32, #tpu.memory_space<vmem>>
      %dma_start3A_226 = tpu.memref_squeeze %dma_start3A_225 : memref<1x128xi32, #tpu.memory_space<vmem>> -> memref<128xi32, #tpu.memory_space<vmem>>
      %dma_start3A_227 = arith.constant 0 : i32
      %dma_start3A_228 = arith.constant 0 : i32
      %dma_start3A_229 = tpu.memref_slice %arg2[%dma_start3A_227, %dma_start3A_228] : memref<10000x128xf32, #tpu.memory_space<hbm>> -> memref<10000x128xf32, #tpu.memory_space<hbm>>
      tpu.enqueue_indirect_dma source(%dma_start3A_229 : memref<10000x128xf32, #tpu.memory_space<hbm>>) target(%arg9 : memref<128x128xf32, #tpu.memory_space<vmem>>) offsets(%dma_start3A_226 : memref<128xi32, #tpu.memory_space<vmem>>) semaphore(%arg14 : memref<!tpu.dma_semaphore, #tpu.memory_space<semaphore_mem>>)
      %dma_wait3A_230 = arith.constant 1 : i32
      %dma_wait3A_231 = arith.constant 0 : i32
      %dma_wait3A_232 = tpu.memref_slice %arg5[%dma_wait3A_230, %dma_wait3A_231] : memref<8x128xi32, #tpu.memory_space<vmem>> -> memref<1x128xi32, #tpu.memory_space<vmem>>
      %dma_wait3A_233 = tpu.memref_squeeze %dma_wait3A_232 : memref<1x128xi32, #tpu.memory_space<vmem>> -> memref<128xi32, #tpu.memory_space<vmem>>
      %dma_wait3A_234 = arith.constant 0 : i32
      %dma_wait3A_235 = arith.constant 0 : i32
      %dma_wait3A_236 = tpu.memref_slice %arg2[%dma_wait3A_234, %dma_wait3A_235] : memref<10000x128xf32, #tpu.memory_space<hbm>> -> memref<10000x128xf32, #tpu.memory_space<hbm>>
      tpu.wait_indirect_dma semaphore(%arg15 : memref<!tpu.dma_semaphore, #tpu.memory_space<semaphore_mem>>) src(%dma_wait3A_236 : memref<10000x128xf32, #tpu.memory_space<hbm>>) dst(%arg10 : memref<128x128xf32, #tpu.memory_space<vmem>>)
      %run_scoped3A_237 = arith.constant 1 : i32
      "tpu.region"() ({
        %run_scoped3A_485 = tpu.sem_alloc : memref<!tpu.dma_semaphore, #tpu.memory_space<semaphore_mem>>
        %dma_start3A_486 = arith.constant 0 : i32
        %dma_start3A_487 = tpu.memref_slice %arg6[%run_scoped3A_237, %dma_start3A_486] : memref<8x128xi32, #tpu.memory_space<vmem>> -> memref<1x128xi32, #tpu.memory_space<vmem>>
        %dma_start3A_488 = tpu.memref_squeeze %dma_start3A_487 : memref<1x128xi32, #tpu.memory_space<vmem>> -> memref<128xi32, #tpu.memory_space<vmem>>
        %dma_start3A_489 = arith.constant 0 : i32
        %dma_start3A_490 = arith.constant 0 : i32
        %dma_start3A_491 = tpu.memref_slice %arg17[%dma_start3A_489, %dma_start3A_490] : memref<10240x128xf32, #tpu.memory_space<vmem_shared>> -> memref<10240x128xf32, #tpu.memory_space<vmem_shared>>
        tpu.enqueue_indirect_dma source(%arg10 : memref<128x128xf32, #tpu.memory_space<vmem>>) target(%dma_start3A_491 : memref<10240x128xf32, #tpu.memory_space<vmem_shared>>) offsets(%dma_start3A_488 : memref<128xi32, #tpu.memory_space<vmem>>) semaphore(%run_scoped3A_485 : memref<!tpu.dma_semaphore, #tpu.memory_space<semaphore_mem>>) {add = true}
        %dma_wait3A_492 = arith.constant 0 : i32
        %dma_wait3A_493 = tpu.memref_slice %arg6[%run_scoped3A_237, %dma_wait3A_492] : memref<8x128xi32, #tpu.memory_space<vmem>> -> memref<1x128xi32, #tpu.memory_space<vmem>>
        %dma_wait3A_494 = tpu.memref_squeeze %dma_wait3A_493 : memref<1x128xi32, #tpu.memory_space<vmem>> -> memref<128xi32, #tpu.memory_space<vmem>>
        %dma_wait3A_495 = arith.constant 0 : i32
        %dma_wait3A_496 = arith.constant 0 : i32
        %dma_wait3A_497 = tpu.memref_slice %arg17[%dma_wait3A_495, %dma_wait3A_496] : memref<10240x128xf32, #tpu.memory_space<vmem_shared>> -> memref<10240x128xf32, #tpu.memory_space<vmem_shared>>
        tpu.wait_indirect_dma semaphore(%run_scoped3A_485 : memref<!tpu.dma_semaphore, #tpu.memory_space<semaphore_mem>>) src(%arg10 : memref<128x128xf32, #tpu.memory_space<vmem>>) dst(%dma_wait3A_497 : memref<10240x128xf32, #tpu.memory_space<vmem_shared>>)
        tpu.yield
      }) : () -> ()
      %dma_start3A_238 = arith.constant 3 : i32
      %dma_start3A_239 = arith.constant 0 : i32
      %dma_start3A_240 = tpu.memref_slice %arg5[%dma_start3A_238, %dma_start3A_239] : memref<8x128xi32, #tpu.memory_space<vmem>> -> memref<1x128xi32, #tpu.memory_space<vmem>>
      %dma_start3A_241 = tpu.memref_squeeze %dma_start3A_240 : memref<1x128xi32, #tpu.memory_space<vmem>> -> memref<128xi32, #tpu.memory_space<vmem>>
      %dma_start3A_242 = arith.constant 0 : i32
      %dma_start3A_243 = arith.constant 0 : i32
      %dma_start3A_244 = tpu.memref_slice %arg2[%dma_start3A_242, %dma_start3A_243] : memref<10000x128xf32, #tpu.memory_space<hbm>> -> memref<10000x128xf32, #tpu.memory_space<hbm>>
      tpu.enqueue_indirect_dma source(%dma_start3A_244 : memref<10000x128xf32, #tpu.memory_space<hbm>>) target(%arg10 : memref<128x128xf32, #tpu.memory_space<vmem>>) offsets(%dma_start3A_241 : memref<128xi32, #tpu.memory_space<vmem>>) semaphore(%arg15 : memref<!tpu.dma_semaphore, #tpu.memory_space<semaphore_mem>>)
      %dma_wait3A_245 = arith.constant 2 : i32
      %dma_wait3A_246 = arith.constant 0 : i32
      %dma_wait3A_247 = tpu.memref_slice %arg5[%dma_wait3A_245, %dma_wait3A_246] : memref<8x128xi32, #tpu.memory_space<vmem>> -> memref<1x128xi32, #tpu.memory_space<vmem>>
      %dma_wait3A_248 = tpu.memref_squeeze %dma_wait3A_247 : memref<1x128xi32, #tpu.memory_space<vmem>> -> memref<128xi32, #tpu.memory_space<vmem>>
      %dma_wait3A_249 = arith.constant 0 : i32
      %dma_wait3A_250 = arith.constant 0 : i32
      %dma_wait3A_251 = tpu.memref_slice %arg2[%dma_wait3A_249, %dma_wait3A_250] : memref<10000x128xf32, #tpu.memory_space<hbm>> -> memref<10000x128xf32, #tpu.memory_space<hbm>>
      tpu.wait_indirect_dma semaphore(%arg14 : memref<!tpu.dma_semaphore, #tpu.memory_space<semaphore_mem>>) src(%dma_wait3A_251 : memref<10000x128xf32, #tpu.memory_space<hbm>>) dst(%arg9 : memref<128x128xf32, #tpu.memory_space<vmem>>)
      %run_scoped3A_252 = arith.constant 2 : i32
      "tpu.region"() ({
        %run_scoped3A_485 = tpu.sem_alloc : memref<!tpu.dma_semaphore, #tpu.memory_space<semaphore_mem>>
        %dma_start3A_486 = arith.constant 0 : i32
        %dma_start3A_487 = tpu.memref_slice %arg6[%run_scoped3A_252, %dma_start3A_486] : memref<8x128xi32, #tpu.memory_space<vmem>> -> memref<1x128xi32, #tpu.memory_space<vmem>>
        %dma_start3A_488 = tpu.memref_squeeze %dma_start3A_487 : memref<1x128xi32, #tpu.memory_space<vmem>> -> memref<128xi32, #tpu.memory_space<vmem>>
        %dma_start3A_489 = arith.constant 0 : i32
        %dma_start3A_490 = arith.constant 0 : i32
        %dma_start3A_491 = tpu.memref_slice %arg17[%dma_start3A_489, %dma_start3A_490] : memref<10240x128xf32, #tpu.memory_space<vmem_shared>> -> memref<10240x128xf32, #tpu.memory_space<vmem_shared>>
        tpu.enqueue_indirect_dma source(%arg9 : memref<128x128xf32, #tpu.memory_space<vmem>>) target(%dma_start3A_491 : memref<10240x128xf32, #tpu.memory_space<vmem_shared>>) offsets(%dma_start3A_488 : memref<128xi32, #tpu.memory_space<vmem>>) semaphore(%run_scoped3A_485 : memref<!tpu.dma_semaphore, #tpu.memory_space<semaphore_mem>>) {add = true}
        %dma_wait3A_492 = arith.constant 0 : i32
        %dma_wait3A_493 = tpu.memref_slice %arg6[%run_scoped3A_252, %dma_wait3A_492] : memref<8x128xi32, #tpu.memory_space<vmem>> -> memref<1x128xi32, #tpu.memory_space<vmem>>
        %dma_wait3A_494 = tpu.memref_squeeze %dma_wait3A_493 : memref<1x128xi32, #tpu.memory_space<vmem>> -> memref<128xi32, #tpu.memory_space<vmem>>
        %dma_wait3A_495 = arith.constant 0 : i32
        %dma_wait3A_496 = arith.constant 0 : i32
        %dma_wait3A_497 = tpu.memref_slice %arg17[%dma_wait3A_495, %dma_wait3A_496] : memref<10240x128xf32, #tpu.memory_space<vmem_shared>> -> memref<10240x128xf32, #tpu.memory_space<vmem_shared>>
        tpu.wait_indirect_dma semaphore(%run_scoped3A_485 : memref<!tpu.dma_semaphore, #tpu.memory_space<semaphore_mem>>) src(%arg9 : memref<128x128xf32, #tpu.memory_space<vmem>>) dst(%dma_wait3A_497 : memref<10240x128xf32, #tpu.memory_space<vmem_shared>>)
        tpu.yield
      }) : () -> ()
      %dma_start3A_253 = arith.constant 4 : i32
      %dma_start3A_254 = arith.constant 0 : i32
      %dma_start3A_255 = tpu.memref_slice %arg5[%dma_start3A_253, %dma_start3A_254] : memref<8x128xi32, #tpu.memory_space<vmem>> -> memref<1x128xi32, #tpu.memory_space<vmem>>
      %dma_start3A_256 = tpu.memref_squeeze %dma_start3A_255 : memref<1x128xi32, #tpu.memory_space<vmem>> -> memref<128xi32, #tpu.memory_space<vmem>>
      %dma_start3A_257 = arith.constant 0 : i32
      %dma_start3A_258 = arith.constant 0 : i32
      %dma_start3A_259 = tpu.memref_slice %arg2[%dma_start3A_257, %dma_start3A_258] : memref<10000x128xf32, #tpu.memory_space<hbm>> -> memref<10000x128xf32, #tpu.memory_space<hbm>>
      tpu.enqueue_indirect_dma source(%dma_start3A_259 : memref<10000x128xf32, #tpu.memory_space<hbm>>) target(%arg9 : memref<128x128xf32, #tpu.memory_space<vmem>>) offsets(%dma_start3A_256 : memref<128xi32, #tpu.memory_space<vmem>>) semaphore(%arg14 : memref<!tpu.dma_semaphore, #tpu.memory_space<semaphore_mem>>)
      %dma_wait3A_260 = arith.constant 3 : i32
      %dma_wait3A_261 = arith.constant 0 : i32
      %dma_wait3A_262 = tpu.memref_slice %arg5[%dma_wait3A_260, %dma_wait3A_261] : memref<8x128xi32, #tpu.memory_space<vmem>> -> memref<1x128xi32, #tpu.memory_space<vmem>>
      %dma_wait3A_263 = tpu.memref_squeeze %dma_wait3A_262 : memref<1x128xi32, #tpu.memory_space<vmem>> -> memref<128xi32, #tpu.memory_space<vmem>>
      %dma_wait3A_264 = arith.constant 0 : i32
      %dma_wait3A_265 = arith.constant 0 : i32
      %dma_wait3A_266 = tpu.memref_slice %arg2[%dma_wait3A_264, %dma_wait3A_265] : memref<10000x128xf32, #tpu.memory_space<hbm>> -> memref<10000x128xf32, #tpu.memory_space<hbm>>
      tpu.wait_indirect_dma semaphore(%arg15 : memref<!tpu.dma_semaphore, #tpu.memory_space<semaphore_mem>>) src(%dma_wait3A_266 : memref<10000x128xf32, #tpu.memory_space<hbm>>) dst(%arg10 : memref<128x128xf32, #tpu.memory_space<vmem>>)
      %run_scoped3A_267 = arith.constant 3 : i32
      "tpu.region"() ({
        %run_scoped3A_485 = tpu.sem_alloc : memref<!tpu.dma_semaphore, #tpu.memory_space<semaphore_mem>>
        %dma_start3A_486 = arith.constant 0 : i32
        %dma_start3A_487 = tpu.memref_slice %arg6[%run_scoped3A_267, %dma_start3A_486] : memref<8x128xi32, #tpu.memory_space<vmem>> -> memref<1x128xi32, #tpu.memory_space<vmem>>
        %dma_start3A_488 = tpu.memref_squeeze %dma_start3A_487 : memref<1x128xi32, #tpu.memory_space<vmem>> -> memref<128xi32, #tpu.memory_space<vmem>>
        %dma_start3A_489 = arith.constant 0 : i32
        %dma_start3A_490 = arith.constant 0 : i32
        %dma_start3A_491 = tpu.memref_slice %arg17[%dma_start3A_489, %dma_start3A_490] : memref<10240x128xf32, #tpu.memory_space<vmem_shared>> -> memref<10240x128xf32, #tpu.memory_space<vmem_shared>>
        tpu.enqueue_indirect_dma source(%arg10 : memref<128x128xf32, #tpu.memory_space<vmem>>) target(%dma_start3A_491 : memref<10240x128xf32, #tpu.memory_space<vmem_shared>>) offsets(%dma_start3A_488 : memref<128xi32, #tpu.memory_space<vmem>>) semaphore(%run_scoped3A_485 : memref<!tpu.dma_semaphore, #tpu.memory_space<semaphore_mem>>) {add = true}
        %dma_wait3A_492 = arith.constant 0 : i32
        %dma_wait3A_493 = tpu.memref_slice %arg6[%run_scoped3A_267, %dma_wait3A_492] : memref<8x128xi32, #tpu.memory_space<vmem>> -> memref<1x128xi32, #tpu.memory_space<vmem>>
        %dma_wait3A_494 = tpu.memref_squeeze %dma_wait3A_493 : memref<1x128xi32, #tpu.memory_space<vmem>> -> memref<128xi32, #tpu.memory_space<vmem>>
        %dma_wait3A_495 = arith.constant 0 : i32
        %dma_wait3A_496 = arith.constant 0 : i32
        %dma_wait3A_497 = tpu.memref_slice %arg17[%dma_wait3A_495, %dma_wait3A_496] : memref<10240x128xf32, #tpu.memory_space<vmem_shared>> -> memref<10240x128xf32, #tpu.memory_space<vmem_shared>>
        tpu.wait_indirect_dma semaphore(%run_scoped3A_485 : memref<!tpu.dma_semaphore, #tpu.memory_space<semaphore_mem>>) src(%arg10 : memref<128x128xf32, #tpu.memory_space<vmem>>) dst(%dma_wait3A_497 : memref<10240x128xf32, #tpu.memory_space<vmem_shared>>)
        tpu.yield
      }) : () -> ()
      %dma_start3A_268 = arith.constant 5 : i32
      %dma_start3A_269 = arith.constant 0 : i32
      %dma_start3A_270 = tpu.memref_slice %arg5[%dma_start3A_268, %dma_start3A_269] : memref<8x128xi32, #tpu.memory_space<vmem>> -> memref<1x128xi32, #tpu.memory_space<vmem>>
      %dma_start3A_271 = tpu.memref_squeeze %dma_start3A_270 : memref<1x128xi32, #tpu.memory_space<vmem>> -> memref<128xi32, #tpu.memory_space<vmem>>
      %dma_start3A_272 = arith.constant 0 : i32
      %dma_start3A_273 = arith.constant 0 : i32
      %dma_start3A_274 = tpu.memref_slice %arg2[%dma_start3A_272, %dma_start3A_273] : memref<10000x128xf32, #tpu.memory_space<hbm>> -> memref<10000x128xf32, #tpu.memory_space<hbm>>
      tpu.enqueue_indirect_dma source(%dma_start3A_274 : memref<10000x128xf32, #tpu.memory_space<hbm>>) target(%arg10 : memref<128x128xf32, #tpu.memory_space<vmem>>) offsets(%dma_start3A_271 : memref<128xi32, #tpu.memory_space<vmem>>) semaphore(%arg15 : memref<!tpu.dma_semaphore, #tpu.memory_space<semaphore_mem>>)
      %dma_wait3A_275 = arith.constant 4 : i32
      %dma_wait3A_276 = arith.constant 0 : i32
      %dma_wait3A_277 = tpu.memref_slice %arg5[%dma_wait3A_275, %dma_wait3A_276] : memref<8x128xi32, #tpu.memory_space<vmem>> -> memref<1x128xi32, #tpu.memory_space<vmem>>
      %dma_wait3A_278 = tpu.memref_squeeze %dma_wait3A_277 : memref<1x128xi32, #tpu.memory_space<vmem>> -> memref<128xi32, #tpu.memory_space<vmem>>
      %dma_wait3A_279 = arith.constant 0 : i32
      %dma_wait3A_280 = arith.constant 0 : i32
      %dma_wait3A_281 = tpu.memref_slice %arg2[%dma_wait3A_279, %dma_wait3A_280] : memref<10000x128xf32, #tpu.memory_space<hbm>> -> memref<10000x128xf32, #tpu.memory_space<hbm>>
      tpu.wait_indirect_dma semaphore(%arg14 : memref<!tpu.dma_semaphore, #tpu.memory_space<semaphore_mem>>) src(%dma_wait3A_281 : memref<10000x128xf32, #tpu.memory_space<hbm>>) dst(%arg9 : memref<128x128xf32, #tpu.memory_space<vmem>>)
      %run_scoped3A_282 = arith.constant 4 : i32
      "tpu.region"() ({
        %run_scoped3A_485 = tpu.sem_alloc : memref<!tpu.dma_semaphore, #tpu.memory_space<semaphore_mem>>
        %dma_start3A_486 = arith.constant 0 : i32
        %dma_start3A_487 = tpu.memref_slice %arg6[%run_scoped3A_282, %dma_start3A_486] : memref<8x128xi32, #tpu.memory_space<vmem>> -> memref<1x128xi32, #tpu.memory_space<vmem>>
        %dma_start3A_488 = tpu.memref_squeeze %dma_start3A_487 : memref<1x128xi32, #tpu.memory_space<vmem>> -> memref<128xi32, #tpu.memory_space<vmem>>
        %dma_start3A_489 = arith.constant 0 : i32
        %dma_start3A_490 = arith.constant 0 : i32
        %dma_start3A_491 = tpu.memref_slice %arg17[%dma_start3A_489, %dma_start3A_490] : memref<10240x128xf32, #tpu.memory_space<vmem_shared>> -> memref<10240x128xf32, #tpu.memory_space<vmem_shared>>
        tpu.enqueue_indirect_dma source(%arg9 : memref<128x128xf32, #tpu.memory_space<vmem>>) target(%dma_start3A_491 : memref<10240x128xf32, #tpu.memory_space<vmem_shared>>) offsets(%dma_start3A_488 : memref<128xi32, #tpu.memory_space<vmem>>) semaphore(%run_scoped3A_485 : memref<!tpu.dma_semaphore, #tpu.memory_space<semaphore_mem>>) {add = true}
        %dma_wait3A_492 = arith.constant 0 : i32
        %dma_wait3A_493 = tpu.memref_slice %arg6[%run_scoped3A_282, %dma_wait3A_492] : memref<8x128xi32, #tpu.memory_space<vmem>> -> memref<1x128xi32, #tpu.memory_space<vmem>>
        %dma_wait3A_494 = tpu.memref_squeeze %dma_wait3A_493 : memref<1x128xi32, #tpu.memory_space<vmem>> -> memref<128xi32, #tpu.memory_space<vmem>>
        %dma_wait3A_495 = arith.constant 0 : i32
        %dma_wait3A_496 = arith.constant 0 : i32
        %dma_wait3A_497 = tpu.memref_slice %arg17[%dma_wait3A_495, %dma_wait3A_496] : memref<10240x128xf32, #tpu.memory_space<vmem_shared>> -> memref<10240x128xf32, #tpu.memory_space<vmem_shared>>
        tpu.wait_indirect_dma semaphore(%run_scoped3A_485 : memref<!tpu.dma_semaphore, #tpu.memory_space<semaphore_mem>>) src(%arg9 : memref<128x128xf32, #tpu.memory_space<vmem>>) dst(%dma_wait3A_497 : memref<10240x128xf32, #tpu.memory_space<vmem_shared>>)
        tpu.yield
      }) : () -> ()
      %dma_start3A_283 = arith.constant 6 : i32
      %dma_start3A_284 = arith.constant 0 : i32
      %dma_start3A_285 = tpu.memref_slice %arg5[%dma_start3A_283, %dma_start3A_284] : memref<8x128xi32, #tpu.memory_space<vmem>> -> memref<1x128xi32, #tpu.memory_space<vmem>>
      %dma_start3A_286 = tpu.memref_squeeze %dma_start3A_285 : memref<1x128xi32, #tpu.memory_space<vmem>> -> memref<128xi32, #tpu.memory_space<vmem>>
      %dma_start3A_287 = arith.constant 0 : i32
      %dma_start3A_288 = arith.constant 0 : i32
      %dma_start3A_289 = tpu.memref_slice %arg2[%dma_start3A_287, %dma_start3A_288] : memref<10000x128xf32, #tpu.memory_space<hbm>> -> memref<10000x128xf32, #tpu.memory_space<hbm>>
      tpu.enqueue_indirect_dma source(%dma_start3A_289 : memref<10000x128xf32, #tpu.memory_space<hbm>>) target(%arg9 : memref<128x128xf32, #tpu.memory_space<vmem>>) offsets(%dma_start3A_286 : memref<128xi32, #tpu.memory_space<vmem>>) semaphore(%arg14 : memref<!tpu.dma_semaphore, #tpu.memory_space<semaphore_mem>>)
      %dma_wait3A_290 = arith.constant 5 : i32
      %dma_wait3A_291 = arith.constant 0 : i32
      %dma_wait3A_292 = tpu.memref_slice %arg5[%dma_wait3A_290, %dma_wait3A_291] : memref<8x128xi32, #tpu.memory_space<vmem>> -> memref<1x128xi32, #tpu.memory_space<vmem>>
      %dma_wait3A_293 = tpu.memref_squeeze %dma_wait3A_292 : memref<1x128xi32, #tpu.memory_space<vmem>> -> memref<128xi32, #tpu.memory_space<vmem>>
      %dma_wait3A_294 = arith.constant 0 : i32
      %dma_wait3A_295 = arith.constant 0 : i32
      %dma_wait3A_296 = tpu.memref_slice %arg2[%dma_wait3A_294, %dma_wait3A_295] : memref<10000x128xf32, #tpu.memory_space<hbm>> -> memref<10000x128xf32, #tpu.memory_space<hbm>>
      tpu.wait_indirect_dma semaphore(%arg15 : memref<!tpu.dma_semaphore, #tpu.memory_space<semaphore_mem>>) src(%dma_wait3A_296 : memref<10000x128xf32, #tpu.memory_space<hbm>>) dst(%arg10 : memref<128x128xf32, #tpu.memory_space<vmem>>)
      %run_scoped3A_297 = arith.constant 5 : i32
      "tpu.region"() ({
        %run_scoped3A_485 = tpu.sem_alloc : memref<!tpu.dma_semaphore, #tpu.memory_space<semaphore_mem>>
        %dma_start3A_486 = arith.constant 0 : i32
        %dma_start3A_487 = tpu.memref_slice %arg6[%run_scoped3A_297, %dma_start3A_486] : memref<8x128xi32, #tpu.memory_space<vmem>> -> memref<1x128xi32, #tpu.memory_space<vmem>>
        %dma_start3A_488 = tpu.memref_squeeze %dma_start3A_487 : memref<1x128xi32, #tpu.memory_space<vmem>> -> memref<128xi32, #tpu.memory_space<vmem>>
        %dma_start3A_489 = arith.constant 0 : i32
        %dma_start3A_490 = arith.constant 0 : i32
        %dma_start3A_491 = tpu.memref_slice %arg17[%dma_start3A_489, %dma_start3A_490] : memref<10240x128xf32, #tpu.memory_space<vmem_shared>> -> memref<10240x128xf32, #tpu.memory_space<vmem_shared>>
        tpu.enqueue_indirect_dma source(%arg10 : memref<128x128xf32, #tpu.memory_space<vmem>>) target(%dma_start3A_491 : memref<10240x128xf32, #tpu.memory_space<vmem_shared>>) offsets(%dma_start3A_488 : memref<128xi32, #tpu.memory_space<vmem>>) semaphore(%run_scoped3A_485 : memref<!tpu.dma_semaphore, #tpu.memory_space<semaphore_mem>>) {add = true}
        %dma_wait3A_492 = arith.constant 0 : i32
        %dma_wait3A_493 = tpu.memref_slice %arg6[%run_scoped3A_297, %dma_wait3A_492] : memref<8x128xi32, #tpu.memory_space<vmem>> -> memref<1x128xi32, #tpu.memory_space<vmem>>
        %dma_wait3A_494 = tpu.memref_squeeze %dma_wait3A_493 : memref<1x128xi32, #tpu.memory_space<vmem>> -> memref<128xi32, #tpu.memory_space<vmem>>
        %dma_wait3A_495 = arith.constant 0 : i32
        %dma_wait3A_496 = arith.constant 0 : i32
        %dma_wait3A_497 = tpu.memref_slice %arg17[%dma_wait3A_495, %dma_wait3A_496] : memref<10240x128xf32, #tpu.memory_space<vmem_shared>> -> memref<10240x128xf32, #tpu.memory_space<vmem_shared>>
        tpu.wait_indirect_dma semaphore(%run_scoped3A_485 : memref<!tpu.dma_semaphore, #tpu.memory_space<semaphore_mem>>) src(%arg10 : memref<128x128xf32, #tpu.memory_space<vmem>>) dst(%dma_wait3A_497 : memref<10240x128xf32, #tpu.memory_space<vmem_shared>>)
        tpu.yield
      }) : () -> ()
      %dma_start3A_298 = arith.constant 7 : i32
      %dma_start3A_299 = arith.constant 0 : i32
      %dma_start3A_300 = tpu.memref_slice %arg5[%dma_start3A_298, %dma_start3A_299] : memref<8x128xi32, #tpu.memory_space<vmem>> -> memref<1x128xi32, #tpu.memory_space<vmem>>
      %dma_start3A_301 = tpu.memref_squeeze %dma_start3A_300 : memref<1x128xi32, #tpu.memory_space<vmem>> -> memref<128xi32, #tpu.memory_space<vmem>>
      %dma_start3A_302 = arith.constant 0 : i32
      %dma_start3A_303 = arith.constant 0 : i32
      %dma_start3A_304 = tpu.memref_slice %arg2[%dma_start3A_302, %dma_start3A_303] : memref<10000x128xf32, #tpu.memory_space<hbm>> -> memref<10000x128xf32, #tpu.memory_space<hbm>>
      tpu.enqueue_indirect_dma source(%dma_start3A_304 : memref<10000x128xf32, #tpu.memory_space<hbm>>) target(%arg10 : memref<128x128xf32, #tpu.memory_space<vmem>>) offsets(%dma_start3A_301 : memref<128xi32, #tpu.memory_space<vmem>>) semaphore(%arg15 : memref<!tpu.dma_semaphore, #tpu.memory_space<semaphore_mem>>)
      %dma_wait3A_305 = arith.constant 6 : i32
      %dma_wait3A_306 = arith.constant 0 : i32
      %dma_wait3A_307 = tpu.memref_slice %arg5[%dma_wait3A_305, %dma_wait3A_306] : memref<8x128xi32, #tpu.memory_space<vmem>> -> memref<1x128xi32, #tpu.memory_space<vmem>>
      %dma_wait3A_308 = tpu.memref_squeeze %dma_wait3A_307 : memref<1x128xi32, #tpu.memory_space<vmem>> -> memref<128xi32, #tpu.memory_space<vmem>>
      %dma_wait3A_309 = arith.constant 0 : i32
      %dma_wait3A_310 = arith.constant 0 : i32
      %dma_wait3A_311 = tpu.memref_slice %arg2[%dma_wait3A_309, %dma_wait3A_310] : memref<10000x128xf32, #tpu.memory_space<hbm>> -> memref<10000x128xf32, #tpu.memory_space<hbm>>
      tpu.wait_indirect_dma semaphore(%arg14 : memref<!tpu.dma_semaphore, #tpu.memory_space<semaphore_mem>>) src(%dma_wait3A_311 : memref<10000x128xf32, #tpu.memory_space<hbm>>) dst(%arg9 : memref<128x128xf32, #tpu.memory_space<vmem>>)
      %add3A_312 = arith.constant 1 : i32
      %add3A_313 = arith.addi %add3A_215, %add3A_312 : i32
      %lt3A = arith.constant 10 : i32
      %lt3A_314 = arith.cmpi slt, %add3A_313, %lt3A : i32
      %convert_element_type3A = arith.extui %lt3A_314 : i1 to i32
      %cond3A = arith.constant 0 : i32
      %cond3A_315 = arith.cmpi ne, %convert_element_type3A, %cond3A : i32
      scf.if %cond3A_315 {
        %dma_wait3A_485 = arith.constant 0 : i32
        %dma_wait3A_486 = arith.constant 0 : i32
        %dma_wait3A_487 = arith.constant 0 : i32
        %dma_wait3A_488 = arith.constant 0 : i32
        %dma_wait3A_489 = tpu.memref_slice %arg3[%dma_wait3A_485, %add3A, %dma_wait3A_486, %dma_wait3A_487, %dma_wait3A_488] : memref<2x32x10x8x128xi32, #tpu.memory_space<hbm>> -> memref<1x1x1x8x128xi32, #tpu.memory_space<hbm>>
        %dma_wait3A_490 = tpu.memref_squeeze %dma_wait3A_489 : memref<1x1x1x8x128xi32, #tpu.memory_space<hbm>> -> memref<8x128xi32, #tpu.memory_space<hbm>>
        %dma_wait3A_491 = arith.constant 0 : i32
        %dma_wait3A_492 = arith.constant 0 : i32
        %dma_wait3A_493 = tpu.memref_slice %arg3[%dma_wait3A_485, %add3A, %dma_wait3A_486, %dma_wait3A_491, %dma_wait3A_492] : memref<2x32x10x8x128xi32, #tpu.memory_space<hbm>> -> memref<1x1x1x8x128xi32, #tpu.memory_space<hbm>>
        %dma_wait3A_494 = tpu.memref_squeeze %dma_wait3A_493 : memref<1x1x1x8x128xi32, #tpu.memory_space<hbm>> -> memref<8x128xi32, #tpu.memory_space<hbm>>
        tpu.wait_dma2 semaphore(%arg13 : memref<!tpu.dma_semaphore, #tpu.memory_space<semaphore_mem>>) src(%dma_wait3A_494 : memref<8x128xi32, #tpu.memory_space<hbm>>) dst(%arg7 : memref<8x128xi32, #tpu.memory_space<vmem>>)
        %dma_wait3A_495 = arith.constant 1 : i32
        %dma_wait3A_496 = arith.constant 0 : i32
        %dma_wait3A_497 = arith.constant 0 : i32
        %dma_wait3A_498 = arith.constant 0 : i32
        %dma_wait3A_499 = tpu.memref_slice %arg3[%dma_wait3A_495, %add3A, %dma_wait3A_496, %dma_wait3A_497, %dma_wait3A_498] : memref<2x32x10x8x128xi32, #tpu.memory_space<hbm>> -> memref<1x1x1x8x128xi32, #tpu.memory_space<hbm>>
        %dma_wait3A_500 = tpu.memref_squeeze %dma_wait3A_499 : memref<1x1x1x8x128xi32, #tpu.memory_space<hbm>> -> memref<8x128xi32, #tpu.memory_space<hbm>>
        %dma_wait3A_501 = arith.constant 0 : i32
        %dma_wait3A_502 = arith.constant 0 : i32
        %dma_wait3A_503 = tpu.memref_slice %arg3[%dma_wait3A_495, %add3A, %dma_wait3A_496, %dma_wait3A_501, %dma_wait3A_502] : memref<2x32x10x8x128xi32, #tpu.memory_space<hbm>> -> memref<1x1x1x8x128xi32, #tpu.memory_space<hbm>>
        %dma_wait3A_504 = tpu.memref_squeeze %dma_wait3A_503 : memref<1x1x1x8x128xi32, #tpu.memory_space<hbm>> -> memref<8x128xi32, #tpu.memory_space<hbm>>
        tpu.wait_dma2 semaphore(%arg13 : memref<!tpu.dma_semaphore, #tpu.memory_space<semaphore_mem>>) src(%dma_wait3A_504 : memref<8x128xi32, #tpu.memory_space<hbm>>) dst(%arg8 : memref<8x128xi32, #tpu.memory_space<vmem>>)
      } else {
      }
      %run_scoped3A_316 = arith.constant 6 : i32
      "tpu.region"() ({
        %run_scoped3A_485 = tpu.sem_alloc : memref<!tpu.dma_semaphore, #tpu.memory_space<semaphore_mem>>
        %dma_start3A_486 = arith.constant 0 : i32
        %dma_start3A_487 = tpu.memref_slice %arg6[%run_scoped3A_316, %dma_start3A_486] : memref<8x128xi32, #tpu.memory_space<vmem>> -> memref<1x128xi32, #tpu.memory_space<vmem>>
        %dma_start3A_488 = tpu.memref_squeeze %dma_start3A_487 : memref<1x128xi32, #tpu.memory_space<vmem>> -> memref<128xi32, #tpu.memory_space<vmem>>
        %dma_start3A_489 = arith.constant 0 : i32
        %dma_start3A_490 = arith.constant 0 : i32
        %dma_start3A_491 = tpu.memref_slice %arg17[%dma_start3A_489, %dma_start3A_490] : memref<10240x128xf32, #tpu.memory_space<vmem_shared>> -> memref<10240x128xf32, #tpu.memory_space<vmem_shared>>
        tpu.enqueue_indirect_dma source(%arg9 : memref<128x128xf32, #tpu.memory_space<vmem>>) target(%dma_start3A_491 : memref<10240x128xf32, #tpu.memory_space<vmem_shared>>) offsets(%dma_start3A_488 : memref<128xi32, #tpu.memory_space<vmem>>) semaphore(%run_scoped3A_485 : memref<!tpu.dma_semaphore, #tpu.memory_space<semaphore_mem>>) {add = true}
        %dma_wait3A_492 = arith.constant 0 : i32
        %dma_wait3A_493 = tpu.memref_slice %arg6[%run_scoped3A_316, %dma_wait3A_492] : memref<8x128xi32, #tpu.memory_space<vmem>> -> memref<1x128xi32, #tpu.memory_space<vmem>>
        %dma_wait3A_494 = tpu.memref_squeeze %dma_wait3A_493 : memref<1x128xi32, #tpu.memory_space<vmem>> -> memref<128xi32, #tpu.memory_space<vmem>>
        %dma_wait3A_495 = arith.constant 0 : i32
        %dma_wait3A_496 = arith.constant 0 : i32
        %dma_wait3A_497 = tpu.memref_slice %arg17[%dma_wait3A_495, %dma_wait3A_496] : memref<10240x128xf32, #tpu.memory_space<vmem_shared>> -> memref<10240x128xf32, #tpu.memory_space<vmem_shared>>
        tpu.wait_indirect_dma semaphore(%run_scoped3A_485 : memref<!tpu.dma_semaphore, #tpu.memory_space<semaphore_mem>>) src(%arg9 : memref<128x128xf32, #tpu.memory_space<vmem>>) dst(%dma_wait3A_497 : memref<10240x128xf32, #tpu.memory_space<vmem_shared>>)
        tpu.yield
      }) : () -> ()
      %add3A_317 = arith.constant 1 : i32
      %add3A_318 = arith.addi %add3A_215, %add3A_317 : i32
      %lt3A_319 = arith.constant 10 : i32
      %lt3A_320 = arith.cmpi slt, %add3A_318, %lt3A_319 : i32
      %convert_element_type3A_321 = arith.extui %lt3A_320 : i1 to i32
      %cond3A_322 = arith.constant 0 : i32
      %cond3A_323 = arith.cmpi ne, %convert_element_type3A_321, %cond3A_322 : i32
      scf.if %cond3A_323 {
        %dma_start3A_485 = arith.constant 0 : i32
        %dma_start3A_486 = arith.constant 0 : i32
        %dma_start3A_487 = tpu.memref_slice %arg7[%dma_start3A_485, %dma_start3A_486] : memref<8x128xi32, #tpu.memory_space<vmem>> -> memref<1x128xi32, #tpu.memory_space<vmem>>
        %dma_start3A_488 = tpu.memref_squeeze %dma_start3A_487 : memref<1x128xi32, #tpu.memory_space<vmem>> -> memref<128xi32, #tpu.memory_space<vmem>>
        %dma_start3A_489 = arith.constant 0 : i32
        %dma_start3A_490 = arith.constant 0 : i32
        %dma_start3A_491 = tpu.memref_slice %arg2[%dma_start3A_489, %dma_start3A_490] : memref<10000x128xf32, #tpu.memory_space<hbm>> -> memref<10000x128xf32, #tpu.memory_space<hbm>>
        tpu.enqueue_indirect_dma source(%dma_start3A_491 : memref<10000x128xf32, #tpu.memory_space<hbm>>) target(%arg9 : memref<128x128xf32, #tpu.memory_space<vmem>>) offsets(%dma_start3A_488 : memref<128xi32, #tpu.memory_space<vmem>>) semaphore(%arg14 : memref<!tpu.dma_semaphore, #tpu.memory_space<semaphore_mem>>)
      } else {
      }
      %dma_wait3A_324 = arith.constant 7 : i32
      %dma_wait3A_325 = arith.constant 0 : i32
      %dma_wait3A_326 = tpu.memref_slice %arg5[%dma_wait3A_324, %dma_wait3A_325] : memref<8x128xi32, #tpu.memory_space<vmem>> -> memref<1x128xi32, #tpu.memory_space<vmem>>
      %dma_wait3A_327 = tpu.memref_squeeze %dma_wait3A_326 : memref<1x128xi32, #tpu.memory_space<vmem>> -> memref<128xi32, #tpu.memory_space<vmem>>
      %dma_wait3A_328 = arith.constant 0 : i32
      %dma_wait3A_329 = arith.constant 0 : i32
      %dma_wait3A_330 = tpu.memref_slice %arg2[%dma_wait3A_328, %dma_wait3A_329] : memref<10000x128xf32, #tpu.memory_space<hbm>> -> memref<10000x128xf32, #tpu.memory_space<hbm>>
      tpu.wait_indirect_dma semaphore(%arg15 : memref<!tpu.dma_semaphore, #tpu.memory_space<semaphore_mem>>) src(%dma_wait3A_330 : memref<10000x128xf32, #tpu.memory_space<hbm>>) dst(%arg10 : memref<128x128xf32, #tpu.memory_space<vmem>>)
      %run_scoped3A_331 = arith.constant 7 : i32
      "tpu.region"() ({
        %run_scoped3A_485 = tpu.sem_alloc : memref<!tpu.dma_semaphore, #tpu.memory_space<semaphore_mem>>
        %dma_start3A_486 = arith.constant 0 : i32
        %dma_start3A_487 = tpu.memref_slice %arg6[%run_scoped3A_331, %dma_start3A_486] : memref<8x128xi32, #tpu.memory_space<vmem>> -> memref<1x128xi32, #tpu.memory_space<vmem>>
        %dma_start3A_488 = tpu.memref_squeeze %dma_start3A_487 : memref<1x128xi32, #tpu.memory_space<vmem>> -> memref<128xi32, #tpu.memory_space<vmem>>
        %dma_start3A_489 = arith.constant 0 : i32
        %dma_start3A_490 = arith.constant 0 : i32
        %dma_start3A_491 = tpu.memref_slice %arg17[%dma_start3A_489, %dma_start3A_490] : memref<10240x128xf32, #tpu.memory_space<vmem_shared>> -> memref<10240x128xf32, #tpu.memory_space<vmem_shared>>
        tpu.enqueue_indirect_dma source(%arg10 : memref<128x128xf32, #tpu.memory_space<vmem>>) target(%dma_start3A_491 : memref<10240x128xf32, #tpu.memory_space<vmem_shared>>) offsets(%dma_start3A_488 : memref<128xi32, #tpu.memory_space<vmem>>) semaphore(%run_scoped3A_485 : memref<!tpu.dma_semaphore, #tpu.memory_space<semaphore_mem>>) {add = true}
        %dma_wait3A_492 = arith.constant 0 : i32
        %dma_wait3A_493 = tpu.memref_slice %arg6[%run_scoped3A_331, %dma_wait3A_492] : memref<8x128xi32, #tpu.memory_space<vmem>> -> memref<1x128xi32, #tpu.memory_space<vmem>>
        %dma_wait3A_494 = tpu.memref_squeeze %dma_wait3A_493 : memref<1x128xi32, #tpu.memory_space<vmem>> -> memref<128xi32, #tpu.memory_space<vmem>>
        %dma_wait3A_495 = arith.constant 0 : i32
        %dma_wait3A_496 = arith.constant 0 : i32
        %dma_wait3A_497 = tpu.memref_slice %arg17[%dma_wait3A_495, %dma_wait3A_496] : memref<10240x128xf32, #tpu.memory_space<vmem_shared>> -> memref<10240x128xf32, #tpu.memory_space<vmem_shared>>
        tpu.wait_indirect_dma semaphore(%run_scoped3A_485 : memref<!tpu.dma_semaphore, #tpu.memory_space<semaphore_mem>>) src(%arg10 : memref<128x128xf32, #tpu.memory_space<vmem>>) dst(%dma_wait3A_497 : memref<10240x128xf32, #tpu.memory_space<vmem_shared>>)
        tpu.yield
      }) : () -> ()
      %add3A_332 = arith.constant 1 : i32
      %add3A_333 = arith.addi %add3A_215, %add3A_332 : i32
      %lt3A_334 = arith.constant 10 : i32
      %lt3A_335 = arith.cmpi slt, %add3A_333, %lt3A_334 : i32
      %convert_element_type3A_336 = arith.extui %lt3A_335 : i1 to i32
      %cond3A_337 = arith.constant 0 : i32
      %cond3A_338 = arith.cmpi ne, %convert_element_type3A_336, %cond3A_337 : i32
      scf.if %cond3A_338 {
        %dma_start3A_485 = arith.constant 1 : i32
        %dma_start3A_486 = arith.constant 0 : i32
        %dma_start3A_487 = tpu.memref_slice %arg7[%dma_start3A_485, %dma_start3A_486] : memref<8x128xi32, #tpu.memory_space<vmem>> -> memref<1x128xi32, #tpu.memory_space<vmem>>
        %dma_start3A_488 = tpu.memref_squeeze %dma_start3A_487 : memref<1x128xi32, #tpu.memory_space<vmem>> -> memref<128xi32, #tpu.memory_space<vmem>>
        %dma_start3A_489 = arith.constant 0 : i32
        %dma_start3A_490 = arith.constant 0 : i32
        %dma_start3A_491 = tpu.memref_slice %arg2[%dma_start3A_489, %dma_start3A_490] : memref<10000x128xf32, #tpu.memory_space<hbm>> -> memref<10000x128xf32, #tpu.memory_space<hbm>>
        tpu.enqueue_indirect_dma source(%dma_start3A_491 : memref<10000x128xf32, #tpu.memory_space<hbm>>) target(%arg10 : memref<128x128xf32, #tpu.memory_space<vmem>>) offsets(%dma_start3A_488 : memref<128xi32, #tpu.memory_space<vmem>>) semaphore(%arg15 : memref<!tpu.dma_semaphore, #tpu.memory_space<semaphore_mem>>)
      } else {
      }
      %add3A_339 = arith.constant 2 : i32
      %add3A_340 = arith.addi %add3A_215, %add3A_339 : i32
      %lt3A_341 = arith.constant 10 : i32
      %lt3A_342 = arith.cmpi slt, %add3A_340, %lt3A_341 : i32
      %convert_element_type3A_343 = arith.extui %lt3A_342 : i1 to i32
      %cond3A_344 = arith.constant 0 : i32
      %cond3A_345 = arith.cmpi ne, %convert_element_type3A_343, %cond3A_344 : i32
      scf.if %cond3A_345 {
        %add3A_485 = arith.constant 2 : i32
        %add3A_486 = arith.addi %add3A_215, %add3A_485 : i32
        %dma_start3A_487 = arith.constant 0 : i32
        %dma_start3A_488 = arith.constant 0 : i32
        %dma_start3A_489 = arith.constant 0 : i32
        %dma_start3A_490 = tpu.memref_slice %arg3[%dma_start3A_487, %add3A, %add3A_486, %dma_start3A_488, %dma_start3A_489] : memref<2x32x10x8x128xi32, #tpu.memory_space<hbm>> -> memref<1x1x1x8x128xi32, #tpu.memory_space<hbm>>
        %dma_start3A_491 = tpu.memref_squeeze %dma_start3A_490 : memref<1x1x1x8x128xi32, #tpu.memory_space<hbm>> -> memref<8x128xi32, #tpu.memory_space<hbm>>
        %dma_start3A_492 = arith.constant 0 : i32
        %dma_start3A_493 = arith.constant 0 : i32
        %dma_start3A_494 = tpu.memref_slice %arg3[%dma_start3A_487, %add3A, %add3A_486, %dma_start3A_492, %dma_start3A_493] : memref<2x32x10x8x128xi32, #tpu.memory_space<hbm>> -> memref<1x1x1x8x128xi32, #tpu.memory_space<hbm>>
        %dma_start3A_495 = tpu.memref_squeeze %dma_start3A_494 : memref<1x1x1x8x128xi32, #tpu.memory_space<hbm>> -> memref<8x128xi32, #tpu.memory_space<hbm>>
        tpu.enqueue_dma source(%dma_start3A_495 : memref<8x128xi32, #tpu.memory_space<hbm>>) target(%arg5 : memref<8x128xi32, #tpu.memory_space<vmem>>) target_semaphore(%arg12 : memref<!tpu.dma_semaphore, #tpu.memory_space<semaphore_mem>>)
        %dma_start3A_496 = arith.constant 1 : i32
        %dma_start3A_497 = arith.constant 0 : i32
        %dma_start3A_498 = arith.constant 0 : i32
        %dma_start3A_499 = tpu.memref_slice %arg3[%dma_start3A_496, %add3A, %add3A_486, %dma_start3A_497, %dma_start3A_498] : memref<2x32x10x8x128xi32, #tpu.memory_space<hbm>> -> memref<1x1x1x8x128xi32, #tpu.memory_space<hbm>>
        %dma_start3A_500 = tpu.memref_squeeze %dma_start3A_499 : memref<1x1x1x8x128xi32, #tpu.memory_space<hbm>> -> memref<8x128xi32, #tpu.memory_space<hbm>>
        %dma_start3A_501 = arith.constant 0 : i32
        %dma_start3A_502 = arith.constant 0 : i32
        %dma_start3A_503 = tpu.memref_slice %arg3[%dma_start3A_496, %add3A, %add3A_486, %dma_start3A_501, %dma_start3A_502] : memref<2x32x10x8x128xi32, #tpu.memory_space<hbm>> -> memref<1x1x1x8x128xi32, #tpu.memory_space<hbm>>
        %dma_start3A_504 = tpu.memref_squeeze %dma_start3A_503 : memref<1x1x1x8x128xi32, #tpu.memory_space<hbm>> -> memref<8x128xi32, #tpu.memory_space<hbm>>
        tpu.enqueue_dma source(%dma_start3A_504 : memref<8x128xi32, #tpu.memory_space<hbm>>) target(%arg6 : memref<8x128xi32, #tpu.memory_space<vmem>>) target_semaphore(%arg12 : memref<!tpu.dma_semaphore, #tpu.memory_space<semaphore_mem>>)
      } else {
      }
      %mul3A_346 = arith.constant 2 : i32
      %mul3A_347 = arith.muli %mul3A_346, %scan3A_210 : i32
      %add3A_348 = arith.constant 1 : i32
      %add3A_349 = arith.addi %mul3A_347, %add3A_348 : i32
      %dma_wait3A_350 = arith.constant 0 : i32
      %dma_wait3A_351 = arith.constant 0 : i32
      %dma_wait3A_352 = tpu.memref_slice %arg7[%dma_wait3A_350, %dma_wait3A_351] : memref<8x128xi32, #tpu.memory_space<vmem>> -> memref<1x128xi32, #tpu.memory_space<vmem>>
      %dma_wait3A_353 = tpu.memref_squeeze %dma_wait3A_352 : memref<1x128xi32, #tpu.memory_space<vmem>> -> memref<128xi32, #tpu.memory_space<vmem>>
      %dma_wait3A_354 = arith.constant 0 : i32
      %dma_wait3A_355 = arith.constant 0 : i32
      %dma_wait3A_356 = tpu.memref_slice %arg2[%dma_wait3A_354, %dma_wait3A_355] : memref<10000x128xf32, #tpu.memory_space<hbm>> -> memref<10000x128xf32, #tpu.memory_space<hbm>>
      tpu.wait_indirect_dma semaphore(%arg14 : memref<!tpu.dma_semaphore, #tpu.memory_space<semaphore_mem>>) src(%dma_wait3A_356 : memref<10000x128xf32, #tpu.memory_space<hbm>>) dst(%arg9 : memref<128x128xf32, #tpu.memory_space<vmem>>)
      %run_scoped3A_357 = arith.constant 0 : i32
      "tpu.region"() ({
        %run_scoped3A_485 = tpu.sem_alloc : memref<!tpu.dma_semaphore, #tpu.memory_space<semaphore_mem>>
        %dma_start3A_486 = arith.constant 0 : i32
        %dma_start3A_487 = tpu.memref_slice %arg8[%run_scoped3A_357, %dma_start3A_486] : memref<8x128xi32, #tpu.memory_space<vmem>> -> memref<1x128xi32, #tpu.memory_space<vmem>>
        %dma_start3A_488 = tpu.memref_squeeze %dma_start3A_487 : memref<1x128xi32, #tpu.memory_space<vmem>> -> memref<128xi32, #tpu.memory_space<vmem>>
        %dma_start3A_489 = arith.constant 0 : i32
        %dma_start3A_490 = arith.constant 0 : i32
        %dma_start3A_491 = tpu.memref_slice %arg17[%dma_start3A_489, %dma_start3A_490] : memref<10240x128xf32, #tpu.memory_space<vmem_shared>> -> memref<10240x128xf32, #tpu.memory_space<vmem_shared>>
        tpu.enqueue_indirect_dma source(%arg9 : memref<128x128xf32, #tpu.memory_space<vmem>>) target(%dma_start3A_491 : memref<10240x128xf32, #tpu.memory_space<vmem_shared>>) offsets(%dma_start3A_488 : memref<128xi32, #tpu.memory_space<vmem>>) semaphore(%run_scoped3A_485 : memref<!tpu.dma_semaphore, #tpu.memory_space<semaphore_mem>>) {add = true}
        %dma_wait3A_492 = arith.constant 0 : i32
        %dma_wait3A_493 = tpu.memref_slice %arg8[%run_scoped3A_357, %dma_wait3A_492] : memref<8x128xi32, #tpu.memory_space<vmem>> -> memref<1x128xi32, #tpu.memory_space<vmem>>
        %dma_wait3A_494 = tpu.memref_squeeze %dma_wait3A_493 : memref<1x128xi32, #tpu.memory_space<vmem>> -> memref<128xi32, #tpu.memory_space<vmem>>
        %dma_wait3A_495 = arith.constant 0 : i32
        %dma_wait3A_496 = arith.constant 0 : i32
        %dma_wait3A_497 = tpu.memref_slice %arg17[%dma_wait3A_495, %dma_wait3A_496] : memref<10240x128xf32, #tpu.memory_space<vmem_shared>> -> memref<10240x128xf32, #tpu.memory_space<vmem_shared>>
        tpu.wait_indirect_dma semaphore(%run_scoped3A_485 : memref<!tpu.dma_semaphore, #tpu.memory_space<semaphore_mem>>) src(%arg9 : memref<128x128xf32, #tpu.memory_space<vmem>>) dst(%dma_wait3A_497 : memref<10240x128xf32, #tpu.memory_space<vmem_shared>>)
        tpu.yield
      }) : () -> ()
      %dma_start3A_358 = arith.constant 2 : i32
      %dma_start3A_359 = arith.constant 0 : i32
      %dma_start3A_360 = tpu.memref_slice %arg7[%dma_start3A_358, %dma_start3A_359] : memref<8x128xi32, #tpu.memory_space<vmem>> -> memref<1x128xi32, #tpu.memory_space<vmem>>
      %dma_start3A_361 = tpu.memref_squeeze %dma_start3A_360 : memref<1x128xi32, #tpu.memory_space<vmem>> -> memref<128xi32, #tpu.memory_space<vmem>>
      %dma_start3A_362 = arith.constant 0 : i32
      %dma_start3A_363 = arith.constant 0 : i32
      %dma_start3A_364 = tpu.memref_slice %arg2[%dma_start3A_362, %dma_start3A_363] : memref<10000x128xf32, #tpu.memory_space<hbm>> -> memref<10000x128xf32, #tpu.memory_space<hbm>>
      tpu.enqueue_indirect_dma source(%dma_start3A_364 : memref<10000x128xf32, #tpu.memory_space<hbm>>) target(%arg9 : memref<128x128xf32, #tpu.memory_space<vmem>>) offsets(%dma_start3A_361 : memref<128xi32, #tpu.memory_space<vmem>>) semaphore(%arg14 : memref<!tpu.dma_semaphore, #tpu.memory_space<semaphore_mem>>)
      %dma_wait3A_365 = arith.constant 1 : i32
      %dma_wait3A_366 = arith.constant 0 : i32
      %dma_wait3A_367 = tpu.memref_slice %arg7[%dma_wait3A_365, %dma_wait3A_366] : memref<8x128xi32, #tpu.memory_space<vmem>> -> memref<1x128xi32, #tpu.memory_space<vmem>>
      %dma_wait3A_368 = tpu.memref_squeeze %dma_wait3A_367 : memref<1x128xi32, #tpu.memory_space<vmem>> -> memref<128xi32, #tpu.memory_space<vmem>>
      %dma_wait3A_369 = arith.constant 0 : i32
      %dma_wait3A_370 = arith.constant 0 : i32
      %dma_wait3A_371 = tpu.memref_slice %arg2[%dma_wait3A_369, %dma_wait3A_370] : memref<10000x128xf32, #tpu.memory_space<hbm>> -> memref<10000x128xf32, #tpu.memory_space<hbm>>
      tpu.wait_indirect_dma semaphore(%arg15 : memref<!tpu.dma_semaphore, #tpu.memory_space<semaphore_mem>>) src(%dma_wait3A_371 : memref<10000x128xf32, #tpu.memory_space<hbm>>) dst(%arg10 : memref<128x128xf32, #tpu.memory_space<vmem>>)
      %run_scoped3A_372 = arith.constant 1 : i32
      "tpu.region"() ({
        %run_scoped3A_485 = tpu.sem_alloc : memref<!tpu.dma_semaphore, #tpu.memory_space<semaphore_mem>>
        %dma_start3A_486 = arith.constant 0 : i32
        %dma_start3A_487 = tpu.memref_slice %arg8[%run_scoped3A_372, %dma_start3A_486] : memref<8x128xi32, #tpu.memory_space<vmem>> -> memref<1x128xi32, #tpu.memory_space<vmem>>
        %dma_start3A_488 = tpu.memref_squeeze %dma_start3A_487 : memref<1x128xi32, #tpu.memory_space<vmem>> -> memref<128xi32, #tpu.memory_space<vmem>>
        %dma_start3A_489 = arith.constant 0 : i32
        %dma_start3A_490 = arith.constant 0 : i32
        %dma_start3A_491 = tpu.memref_slice %arg17[%dma_start3A_489, %dma_start3A_490] : memref<10240x128xf32, #tpu.memory_space<vmem_shared>> -> memref<10240x128xf32, #tpu.memory_space<vmem_shared>>
        tpu.enqueue_indirect_dma source(%arg10 : memref<128x128xf32, #tpu.memory_space<vmem>>) target(%dma_start3A_491 : memref<10240x128xf32, #tpu.memory_space<vmem_shared>>) offsets(%dma_start3A_488 : memref<128xi32, #tpu.memory_space<vmem>>) semaphore(%run_scoped3A_485 : memref<!tpu.dma_semaphore, #tpu.memory_space<semaphore_mem>>) {add = true}
        %dma_wait3A_492 = arith.constant 0 : i32
        %dma_wait3A_493 = tpu.memref_slice %arg8[%run_scoped3A_372, %dma_wait3A_492] : memref<8x128xi32, #tpu.memory_space<vmem>> -> memref<1x128xi32, #tpu.memory_space<vmem>>
        %dma_wait3A_494 = tpu.memref_squeeze %dma_wait3A_493 : memref<1x128xi32, #tpu.memory_space<vmem>> -> memref<128xi32, #tpu.memory_space<vmem>>
        %dma_wait3A_495 = arith.constant 0 : i32
        %dma_wait3A_496 = arith.constant 0 : i32
        %dma_wait3A_497 = tpu.memref_slice %arg17[%dma_wait3A_495, %dma_wait3A_496] : memref<10240x128xf32, #tpu.memory_space<vmem_shared>> -> memref<10240x128xf32, #tpu.memory_space<vmem_shared>>
        tpu.wait_indirect_dma semaphore(%run_scoped3A_485 : memref<!tpu.dma_semaphore, #tpu.memory_space<semaphore_mem>>) src(%arg10 : memref<128x128xf32, #tpu.memory_space<vmem>>) dst(%dma_wait3A_497 : memref<10240x128xf32, #tpu.memory_space<vmem_shared>>)
        tpu.yield
      }) : () -> ()
      %dma_start3A_373 = arith.constant 3 : i32
      %dma_start3A_374 = arith.constant 0 : i32
      %dma_start3A_375 = tpu.memref_slice %arg7[%dma_start3A_373, %dma_start3A_374] : memref<8x128xi32, #tpu.memory_space<vmem>> -> memref<1x128xi32, #tpu.memory_space<vmem>>
      %dma_start3A_376 = tpu.memref_squeeze %dma_start3A_375 : memref<1x128xi32, #tpu.memory_space<vmem>> -> memref<128xi32, #tpu.memory_space<vmem>>
      %dma_start3A_377 = arith.constant 0 : i32
      %dma_start3A_378 = arith.constant 0 : i32
      %dma_start3A_379 = tpu.memref_slice %arg2[%dma_start3A_377, %dma_start3A_378] : memref<10000x128xf32, #tpu.memory_space<hbm>> -> memref<10000x128xf32, #tpu.memory_space<hbm>>
      tpu.enqueue_indirect_dma source(%dma_start3A_379 : memref<10000x128xf32, #tpu.memory_space<hbm>>) target(%arg10 : memref<128x128xf32, #tpu.memory_space<vmem>>) offsets(%dma_start3A_376 : memref<128xi32, #tpu.memory_space<vmem>>) semaphore(%arg15 : memref<!tpu.dma_semaphore, #tpu.memory_space<semaphore_mem>>)
      %dma_wait3A_380 = arith.constant 2 : i32
      %dma_wait3A_381 = arith.constant 0 : i32
      %dma_wait3A_382 = tpu.memref_slice %arg7[%dma_wait3A_380, %dma_wait3A_381] : memref<8x128xi32, #tpu.memory_space<vmem>> -> memref<1x128xi32, #tpu.memory_space<vmem>>
      %dma_wait3A_383 = tpu.memref_squeeze %dma_wait3A_382 : memref<1x128xi32, #tpu.memory_space<vmem>> -> memref<128xi32, #tpu.memory_space<vmem>>
      %dma_wait3A_384 = arith.constant 0 : i32
      %dma_wait3A_385 = arith.constant 0 : i32
      %dma_wait3A_386 = tpu.memref_slice %arg2[%dma_wait3A_384, %dma_wait3A_385] : memref<10000x128xf32, #tpu.memory_space<hbm>> -> memref<10000x128xf32, #tpu.memory_space<hbm>>
      tpu.wait_indirect_dma semaphore(%arg14 : memref<!tpu.dma_semaphore, #tpu.memory_space<semaphore_mem>>) src(%dma_wait3A_386 : memref<10000x128xf32, #tpu.memory_space<hbm>>) dst(%arg9 : memref<128x128xf32, #tpu.memory_space<vmem>>)
      %run_scoped3A_387 = arith.constant 2 : i32
      "tpu.region"() ({
        %run_scoped3A_485 = tpu.sem_alloc : memref<!tpu.dma_semaphore, #tpu.memory_space<semaphore_mem>>
        %dma_start3A_486 = arith.constant 0 : i32
        %dma_start3A_487 = tpu.memref_slice %arg8[%run_scoped3A_387, %dma_start3A_486] : memref<8x128xi32, #tpu.memory_space<vmem>> -> memref<1x128xi32, #tpu.memory_space<vmem>>
        %dma_start3A_488 = tpu.memref_squeeze %dma_start3A_487 : memref<1x128xi32, #tpu.memory_space<vmem>> -> memref<128xi32, #tpu.memory_space<vmem>>
        %dma_start3A_489 = arith.constant 0 : i32
        %dma_start3A_490 = arith.constant 0 : i32
        %dma_start3A_491 = tpu.memref_slice %arg17[%dma_start3A_489, %dma_start3A_490] : memref<10240x128xf32, #tpu.memory_space<vmem_shared>> -> memref<10240x128xf32, #tpu.memory_space<vmem_shared>>
        tpu.enqueue_indirect_dma source(%arg9 : memref<128x128xf32, #tpu.memory_space<vmem>>) target(%dma_start3A_491 : memref<10240x128xf32, #tpu.memory_space<vmem_shared>>) offsets(%dma_start3A_488 : memref<128xi32, #tpu.memory_space<vmem>>) semaphore(%run_scoped3A_485 : memref<!tpu.dma_semaphore, #tpu.memory_space<semaphore_mem>>) {add = true}
        %dma_wait3A_492 = arith.constant 0 : i32
        %dma_wait3A_493 = tpu.memref_slice %arg8[%run_scoped3A_387, %dma_wait3A_492] : memref<8x128xi32, #tpu.memory_space<vmem>> -> memref<1x128xi32, #tpu.memory_space<vmem>>
        %dma_wait3A_494 = tpu.memref_squeeze %dma_wait3A_493 : memref<1x128xi32, #tpu.memory_space<vmem>> -> memref<128xi32, #tpu.memory_space<vmem>>
        %dma_wait3A_495 = arith.constant 0 : i32
        %dma_wait3A_496 = arith.constant 0 : i32
        %dma_wait3A_497 = tpu.memref_slice %arg17[%dma_wait3A_495, %dma_wait3A_496] : memref<10240x128xf32, #tpu.memory_space<vmem_shared>> -> memref<10240x128xf32, #tpu.memory_space<vmem_shared>>
        tpu.wait_indirect_dma semaphore(%run_scoped3A_485 : memref<!tpu.dma_semaphore, #tpu.memory_space<semaphore_mem>>) src(%arg9 : memref<128x128xf32, #tpu.memory_space<vmem>>) dst(%dma_wait3A_497 : memref<10240x128xf32, #tpu.memory_space<vmem_shared>>)
        tpu.yield
      }) : () -> ()
      %dma_start3A_388 = arith.constant 4 : i32
      %dma_start3A_389 = arith.constant 0 : i32
      %dma_start3A_390 = tpu.memref_slice %arg7[%dma_start3A_388, %dma_start3A_389] : memref<8x128xi32, #tpu.memory_space<vmem>> -> memref<1x128xi32, #tpu.memory_space<vmem>>
      %dma_start3A_391 = tpu.memref_squeeze %dma_start3A_390 : memref<1x128xi32, #tpu.memory_space<vmem>> -> memref<128xi32, #tpu.memory_space<vmem>>
      %dma_start3A_392 = arith.constant 0 : i32
      %dma_start3A_393 = arith.constant 0 : i32
      %dma_start3A_394 = tpu.memref_slice %arg2[%dma_start3A_392, %dma_start3A_393] : memref<10000x128xf32, #tpu.memory_space<hbm>> -> memref<10000x128xf32, #tpu.memory_space<hbm>>
      tpu.enqueue_indirect_dma source(%dma_start3A_394 : memref<10000x128xf32, #tpu.memory_space<hbm>>) target(%arg9 : memref<128x128xf32, #tpu.memory_space<vmem>>) offsets(%dma_start3A_391 : memref<128xi32, #tpu.memory_space<vmem>>) semaphore(%arg14 : memref<!tpu.dma_semaphore, #tpu.memory_space<semaphore_mem>>)
      %dma_wait3A_395 = arith.constant 3 : i32
      %dma_wait3A_396 = arith.constant 0 : i32
      %dma_wait3A_397 = tpu.memref_slice %arg7[%dma_wait3A_395, %dma_wait3A_396] : memref<8x128xi32, #tpu.memory_space<vmem>> -> memref<1x128xi32, #tpu.memory_space<vmem>>
      %dma_wait3A_398 = tpu.memref_squeeze %dma_wait3A_397 : memref<1x128xi32, #tpu.memory_space<vmem>> -> memref<128xi32, #tpu.memory_space<vmem>>
      %dma_wait3A_399 = arith.constant 0 : i32
      %dma_wait3A_400 = arith.constant 0 : i32
      %dma_wait3A_401 = tpu.memref_slice %arg2[%dma_wait3A_399, %dma_wait3A_400] : memref<10000x128xf32, #tpu.memory_space<hbm>> -> memref<10000x128xf32, #tpu.memory_space<hbm>>
      tpu.wait_indirect_dma semaphore(%arg15 : memref<!tpu.dma_semaphore, #tpu.memory_space<semaphore_mem>>) src(%dma_wait3A_401 : memref<10000x128xf32, #tpu.memory_space<hbm>>) dst(%arg10 : memref<128x128xf32, #tpu.memory_space<vmem>>)
      %run_scoped3A_402 = arith.constant 3 : i32
      "tpu.region"() ({
        %run_scoped3A_485 = tpu.sem_alloc : memref<!tpu.dma_semaphore, #tpu.memory_space<semaphore_mem>>
        %dma_start3A_486 = arith.constant 0 : i32
        %dma_start3A_487 = tpu.memref_slice %arg8[%run_scoped3A_402, %dma_start3A_486] : memref<8x128xi32, #tpu.memory_space<vmem>> -> memref<1x128xi32, #tpu.memory_space<vmem>>
        %dma_start3A_488 = tpu.memref_squeeze %dma_start3A_487 : memref<1x128xi32, #tpu.memory_space<vmem>> -> memref<128xi32, #tpu.memory_space<vmem>>
        %dma_start3A_489 = arith.constant 0 : i32
        %dma_start3A_490 = arith.constant 0 : i32
        %dma_start3A_491 = tpu.memref_slice %arg17[%dma_start3A_489, %dma_start3A_490] : memref<10240x128xf32, #tpu.memory_space<vmem_shared>> -> memref<10240x128xf32, #tpu.memory_space<vmem_shared>>
        tpu.enqueue_indirect_dma source(%arg10 : memref<128x128xf32, #tpu.memory_space<vmem>>) target(%dma_start3A_491 : memref<10240x128xf32, #tpu.memory_space<vmem_shared>>) offsets(%dma_start3A_488 : memref<128xi32, #tpu.memory_space<vmem>>) semaphore(%run_scoped3A_485 : memref<!tpu.dma_semaphore, #tpu.memory_space<semaphore_mem>>) {add = true}
        %dma_wait3A_492 = arith.constant 0 : i32
        %dma_wait3A_493 = tpu.memref_slice %arg8[%run_scoped3A_402, %dma_wait3A_492] : memref<8x128xi32, #tpu.memory_space<vmem>> -> memref<1x128xi32, #tpu.memory_space<vmem>>
        %dma_wait3A_494 = tpu.memref_squeeze %dma_wait3A_493 : memref<1x128xi32, #tpu.memory_space<vmem>> -> memref<128xi32, #tpu.memory_space<vmem>>
        %dma_wait3A_495 = arith.constant 0 : i32
        %dma_wait3A_496 = arith.constant 0 : i32
        %dma_wait3A_497 = tpu.memref_slice %arg17[%dma_wait3A_495, %dma_wait3A_496] : memref<10240x128xf32, #tpu.memory_space<vmem_shared>> -> memref<10240x128xf32, #tpu.memory_space<vmem_shared>>
        tpu.wait_indirect_dma semaphore(%run_scoped3A_485 : memref<!tpu.dma_semaphore, #tpu.memory_space<semaphore_mem>>) src(%arg10 : memref<128x128xf32, #tpu.memory_space<vmem>>) dst(%dma_wait3A_497 : memref<10240x128xf32, #tpu.memory_space<vmem_shared>>)
        tpu.yield
      }) : () -> ()
      %dma_start3A_403 = arith.constant 5 : i32
      %dma_start3A_404 = arith.constant 0 : i32
      %dma_start3A_405 = tpu.memref_slice %arg7[%dma_start3A_403, %dma_start3A_404] : memref<8x128xi32, #tpu.memory_space<vmem>> -> memref<1x128xi32, #tpu.memory_space<vmem>>
      %dma_start3A_406 = tpu.memref_squeeze %dma_start3A_405 : memref<1x128xi32, #tpu.memory_space<vmem>> -> memref<128xi32, #tpu.memory_space<vmem>>
      %dma_start3A_407 = arith.constant 0 : i32
      %dma_start3A_408 = arith.constant 0 : i32
      %dma_start3A_409 = tpu.memref_slice %arg2[%dma_start3A_407, %dma_start3A_408] : memref<10000x128xf32, #tpu.memory_space<hbm>> -> memref<10000x128xf32, #tpu.memory_space<hbm>>
      tpu.enqueue_indirect_dma source(%dma_start3A_409 : memref<10000x128xf32, #tpu.memory_space<hbm>>) target(%arg10 : memref<128x128xf32, #tpu.memory_space<vmem>>) offsets(%dma_start3A_406 : memref<128xi32, #tpu.memory_space<vmem>>) semaphore(%arg15 : memref<!tpu.dma_semaphore, #tpu.memory_space<semaphore_mem>>)
      %dma_wait3A_410 = arith.constant 4 : i32
      %dma_wait3A_411 = arith.constant 0 : i32
      %dma_wait3A_412 = tpu.memref_slice %arg7[%dma_wait3A_410, %dma_wait3A_411] : memref<8x128xi32, #tpu.memory_space<vmem>> -> memref<1x128xi32, #tpu.memory_space<vmem>>
      %dma_wait3A_413 = tpu.memref_squeeze %dma_wait3A_412 : memref<1x128xi32, #tpu.memory_space<vmem>> -> memref<128xi32, #tpu.memory_space<vmem>>
      %dma_wait3A_414 = arith.constant 0 : i32
      %dma_wait3A_415 = arith.constant 0 : i32
      %dma_wait3A_416 = tpu.memref_slice %arg2[%dma_wait3A_414, %dma_wait3A_415] : memref<10000x128xf32, #tpu.memory_space<hbm>> -> memref<10000x128xf32, #tpu.memory_space<hbm>>
      tpu.wait_indirect_dma semaphore(%arg14 : memref<!tpu.dma_semaphore, #tpu.memory_space<semaphore_mem>>) src(%dma_wait3A_416 : memref<10000x128xf32, #tpu.memory_space<hbm>>) dst(%arg9 : memref<128x128xf32, #tpu.memory_space<vmem>>)
      %run_scoped3A_417 = arith.constant 4 : i32
      "tpu.region"() ({
        %run_scoped3A_485 = tpu.sem_alloc : memref<!tpu.dma_semaphore, #tpu.memory_space<semaphore_mem>>
        %dma_start3A_486 = arith.constant 0 : i32
        %dma_start3A_487 = tpu.memref_slice %arg8[%run_scoped3A_417, %dma_start3A_486] : memref<8x128xi32, #tpu.memory_space<vmem>> -> memref<1x128xi32, #tpu.memory_space<vmem>>
        %dma_start3A_488 = tpu.memref_squeeze %dma_start3A_487 : memref<1x128xi32, #tpu.memory_space<vmem>> -> memref<128xi32, #tpu.memory_space<vmem>>
        %dma_start3A_489 = arith.constant 0 : i32
        %dma_start3A_490 = arith.constant 0 : i32
        %dma_start3A_491 = tpu.memref_slice %arg17[%dma_start3A_489, %dma_start3A_490] : memref<10240x128xf32, #tpu.memory_space<vmem_shared>> -> memref<10240x128xf32, #tpu.memory_space<vmem_shared>>
        tpu.enqueue_indirect_dma source(%arg9 : memref<128x128xf32, #tpu.memory_space<vmem>>) target(%dma_start3A_491 : memref<10240x128xf32, #tpu.memory_space<vmem_shared>>) offsets(%dma_start3A_488 : memref<128xi32, #tpu.memory_space<vmem>>) semaphore(%run_scoped3A_485 : memref<!tpu.dma_semaphore, #tpu.memory_space<semaphore_mem>>) {add = true}
        %dma_wait3A_492 = arith.constant 0 : i32
        %dma_wait3A_493 = tpu.memref_slice %arg8[%run_scoped3A_417, %dma_wait3A_492] : memref<8x128xi32, #tpu.memory_space<vmem>> -> memref<1x128xi32, #tpu.memory_space<vmem>>
        %dma_wait3A_494 = tpu.memref_squeeze %dma_wait3A_493 : memref<1x128xi32, #tpu.memory_space<vmem>> -> memref<128xi32, #tpu.memory_space<vmem>>
        %dma_wait3A_495 = arith.constant 0 : i32
        %dma_wait3A_496 = arith.constant 0 : i32
        %dma_wait3A_497 = tpu.memref_slice %arg17[%dma_wait3A_495, %dma_wait3A_496] : memref<10240x128xf32, #tpu.memory_space<vmem_shared>> -> memref<10240x128xf32, #tpu.memory_space<vmem_shared>>
        tpu.wait_indirect_dma semaphore(%run_scoped3A_485 : memref<!tpu.dma_semaphore, #tpu.memory_space<semaphore_mem>>) src(%arg9 : memref<128x128xf32, #tpu.memory_space<vmem>>) dst(%dma_wait3A_497 : memref<10240x128xf32, #tpu.memory_space<vmem_shared>>)
        tpu.yield
      }) : () -> ()
      %dma_start3A_418 = arith.constant 6 : i32
      %dma_start3A_419 = arith.constant 0 : i32
      %dma_start3A_420 = tpu.memref_slice %arg7[%dma_start3A_418, %dma_start3A_419] : memref<8x128xi32, #tpu.memory_space<vmem>> -> memref<1x128xi32, #tpu.memory_space<vmem>>
      %dma_start3A_421 = tpu.memref_squeeze %dma_start3A_420 : memref<1x128xi32, #tpu.memory_space<vmem>> -> memref<128xi32, #tpu.memory_space<vmem>>
      %dma_start3A_422 = arith.constant 0 : i32
      %dma_start3A_423 = arith.constant 0 : i32
      %dma_start3A_424 = tpu.memref_slice %arg2[%dma_start3A_422, %dma_start3A_423] : memref<10000x128xf32, #tpu.memory_space<hbm>> -> memref<10000x128xf32, #tpu.memory_space<hbm>>
      tpu.enqueue_indirect_dma source(%dma_start3A_424 : memref<10000x128xf32, #tpu.memory_space<hbm>>) target(%arg9 : memref<128x128xf32, #tpu.memory_space<vmem>>) offsets(%dma_start3A_421 : memref<128xi32, #tpu.memory_space<vmem>>) semaphore(%arg14 : memref<!tpu.dma_semaphore, #tpu.memory_space<semaphore_mem>>)
      %dma_wait3A_425 = arith.constant 5 : i32
      %dma_wait3A_426 = arith.constant 0 : i32
      %dma_wait3A_427 = tpu.memref_slice %arg7[%dma_wait3A_425, %dma_wait3A_426] : memref<8x128xi32, #tpu.memory_space<vmem>> -> memref<1x128xi32, #tpu.memory_space<vmem>>
      %dma_wait3A_428 = tpu.memref_squeeze %dma_wait3A_427 : memref<1x128xi32, #tpu.memory_space<vmem>> -> memref<128xi32, #tpu.memory_space<vmem>>
      %dma_wait3A_429 = arith.constant 0 : i32
      %dma_wait3A_430 = arith.constant 0 : i32
      %dma_wait3A_431 = tpu.memref_slice %arg2[%dma_wait3A_429, %dma_wait3A_430] : memref<10000x128xf32, #tpu.memory_space<hbm>> -> memref<10000x128xf32, #tpu.memory_space<hbm>>
      tpu.wait_indirect_dma semaphore(%arg15 : memref<!tpu.dma_semaphore, #tpu.memory_space<semaphore_mem>>) src(%dma_wait3A_431 : memref<10000x128xf32, #tpu.memory_space<hbm>>) dst(%arg10 : memref<128x128xf32, #tpu.memory_space<vmem>>)
      %run_scoped3A_432 = arith.constant 5 : i32
      "tpu.region"() ({
        %run_scoped3A_485 = tpu.sem_alloc : memref<!tpu.dma_semaphore, #tpu.memory_space<semaphore_mem>>
        %dma_start3A_486 = arith.constant 0 : i32
        %dma_start3A_487 = tpu.memref_slice %arg8[%run_scoped3A_432, %dma_start3A_486] : memref<8x128xi32, #tpu.memory_space<vmem>> -> memref<1x128xi32, #tpu.memory_space<vmem>>
        %dma_start3A_488 = tpu.memref_squeeze %dma_start3A_487 : memref<1x128xi32, #tpu.memory_space<vmem>> -> memref<128xi32, #tpu.memory_space<vmem>>
        %dma_start3A_489 = arith.constant 0 : i32
        %dma_start3A_490 = arith.constant 0 : i32
        %dma_start3A_491 = tpu.memref_slice %arg17[%dma_start3A_489, %dma_start3A_490] : memref<10240x128xf32, #tpu.memory_space<vmem_shared>> -> memref<10240x128xf32, #tpu.memory_space<vmem_shared>>
        tpu.enqueue_indirect_dma source(%arg10 : memref<128x128xf32, #tpu.memory_space<vmem>>) target(%dma_start3A_491 : memref<10240x128xf32, #tpu.memory_space<vmem_shared>>) offsets(%dma_start3A_488 : memref<128xi32, #tpu.memory_space<vmem>>) semaphore(%run_scoped3A_485 : memref<!tpu.dma_semaphore, #tpu.memory_space<semaphore_mem>>) {add = true}
        %dma_wait3A_492 = arith.constant 0 : i32
        %dma_wait3A_493 = tpu.memref_slice %arg8[%run_scoped3A_432, %dma_wait3A_492] : memref<8x128xi32, #tpu.memory_space<vmem>> -> memref<1x128xi32, #tpu.memory_space<vmem>>
        %dma_wait3A_494 = tpu.memref_squeeze %dma_wait3A_493 : memref<1x128xi32, #tpu.memory_space<vmem>> -> memref<128xi32, #tpu.memory_space<vmem>>
        %dma_wait3A_495 = arith.constant 0 : i32
        %dma_wait3A_496 = arith.constant 0 : i32
        %dma_wait3A_497 = tpu.memref_slice %arg17[%dma_wait3A_495, %dma_wait3A_496] : memref<10240x128xf32, #tpu.memory_space<vmem_shared>> -> memref<10240x128xf32, #tpu.memory_space<vmem_shared>>
        tpu.wait_indirect_dma semaphore(%run_scoped3A_485 : memref<!tpu.dma_semaphore, #tpu.memory_space<semaphore_mem>>) src(%arg10 : memref<128x128xf32, #tpu.memory_space<vmem>>) dst(%dma_wait3A_497 : memref<10240x128xf32, #tpu.memory_space<vmem_shared>>)
        tpu.yield
      }) : () -> ()
      %dma_start3A_433 = arith.constant 7 : i32
      %dma_start3A_434 = arith.constant 0 : i32
      %dma_start3A_435 = tpu.memref_slice %arg7[%dma_start3A_433, %dma_start3A_434] : memref<8x128xi32, #tpu.memory_space<vmem>> -> memref<1x128xi32, #tpu.memory_space<vmem>>
      %dma_start3A_436 = tpu.memref_squeeze %dma_start3A_435 : memref<1x128xi32, #tpu.memory_space<vmem>> -> memref<128xi32, #tpu.memory_space<vmem>>
      %dma_start3A_437 = arith.constant 0 : i32
      %dma_start3A_438 = arith.constant 0 : i32
      %dma_start3A_439 = tpu.memref_slice %arg2[%dma_start3A_437, %dma_start3A_438] : memref<10000x128xf32, #tpu.memory_space<hbm>> -> memref<10000x128xf32, #tpu.memory_space<hbm>>
      tpu.enqueue_indirect_dma source(%dma_start3A_439 : memref<10000x128xf32, #tpu.memory_space<hbm>>) target(%arg10 : memref<128x128xf32, #tpu.memory_space<vmem>>) offsets(%dma_start3A_436 : memref<128xi32, #tpu.memory_space<vmem>>) semaphore(%arg15 : memref<!tpu.dma_semaphore, #tpu.memory_space<semaphore_mem>>)
      %dma_wait3A_440 = arith.constant 6 : i32
      %dma_wait3A_441 = arith.constant 0 : i32
      %dma_wait3A_442 = tpu.memref_slice %arg7[%dma_wait3A_440, %dma_wait3A_441] : memref<8x128xi32, #tpu.memory_space<vmem>> -> memref<1x128xi32, #tpu.memory_space<vmem>>
      %dma_wait3A_443 = tpu.memref_squeeze %dma_wait3A_442 : memref<1x128xi32, #tpu.memory_space<vmem>> -> memref<128xi32, #tpu.memory_space<vmem>>
      %dma_wait3A_444 = arith.constant 0 : i32
      %dma_wait3A_445 = arith.constant 0 : i32
      %dma_wait3A_446 = tpu.memref_slice %arg2[%dma_wait3A_444, %dma_wait3A_445] : memref<10000x128xf32, #tpu.memory_space<hbm>> -> memref<10000x128xf32, #tpu.memory_space<hbm>>
      tpu.wait_indirect_dma semaphore(%arg14 : memref<!tpu.dma_semaphore, #tpu.memory_space<semaphore_mem>>) src(%dma_wait3A_446 : memref<10000x128xf32, #tpu.memory_space<hbm>>) dst(%arg9 : memref<128x128xf32, #tpu.memory_space<vmem>>)
      %add3A_447 = arith.constant 1 : i32
      %add3A_448 = arith.addi %add3A_349, %add3A_447 : i32
      %lt3A_449 = arith.constant 10 : i32
      %lt3A_450 = arith.cmpi slt, %add3A_448, %lt3A_449 : i32
      %convert_element_type3A_451 = arith.extui %lt3A_450 : i1 to i32
      %cond3A_452 = arith.constant 0 : i32
      %cond3A_453 = arith.cmpi ne, %convert_element_type3A_451, %cond3A_452 : i32
      scf.if %cond3A_453 {
        %dma_wait3A_485 = arith.constant 0 : i32
        %dma_wait3A_486 = arith.constant 0 : i32
        %dma_wait3A_487 = arith.constant 0 : i32
        %dma_wait3A_488 = arith.constant 0 : i32
        %dma_wait3A_489 = tpu.memref_slice %arg3[%dma_wait3A_485, %add3A, %dma_wait3A_486, %dma_wait3A_487, %dma_wait3A_488] : memref<2x32x10x8x128xi32, #tpu.memory_space<hbm>> -> memref<1x1x1x8x128xi32, #tpu.memory_space<hbm>>
        %dma_wait3A_490 = tpu.memref_squeeze %dma_wait3A_489 : memref<1x1x1x8x128xi32, #tpu.memory_space<hbm>> -> memref<8x128xi32, #tpu.memory_space<hbm>>
        %dma_wait3A_491 = arith.constant 0 : i32
        %dma_wait3A_492 = arith.constant 0 : i32
        %dma_wait3A_493 = tpu.memref_slice %arg3[%dma_wait3A_485, %add3A, %dma_wait3A_486, %dma_wait3A_491, %dma_wait3A_492] : memref<2x32x10x8x128xi32, #tpu.memory_space<hbm>> -> memref<1x1x1x8x128xi32, #tpu.memory_space<hbm>>
        %dma_wait3A_494 = tpu.memref_squeeze %dma_wait3A_493 : memref<1x1x1x8x128xi32, #tpu.memory_space<hbm>> -> memref<8x128xi32, #tpu.memory_space<hbm>>
        tpu.wait_dma2 semaphore(%arg12 : memref<!tpu.dma_semaphore, #tpu.memory_space<semaphore_mem>>) src(%dma_wait3A_494 : memref<8x128xi32, #tpu.memory_space<hbm>>) dst(%arg5 : memref<8x128xi32, #tpu.memory_space<vmem>>)
        %dma_wait3A_495 = arith.constant 1 : i32
        %dma_wait3A_496 = arith.constant 0 : i32
        %dma_wait3A_497 = arith.constant 0 : i32
        %dma_wait3A_498 = arith.constant 0 : i32
        %dma_wait3A_499 = tpu.memref_slice %arg3[%dma_wait3A_495, %add3A, %dma_wait3A_496, %dma_wait3A_497, %dma_wait3A_498] : memref<2x32x10x8x128xi32, #tpu.memory_space<hbm>> -> memref<1x1x1x8x128xi32, #tpu.memory_space<hbm>>
        %dma_wait3A_500 = tpu.memref_squeeze %dma_wait3A_499 : memref<1x1x1x8x128xi32, #tpu.memory_space<hbm>> -> memref<8x128xi32, #tpu.memory_space<hbm>>
        %dma_wait3A_501 = arith.constant 0 : i32
        %dma_wait3A_502 = arith.constant 0 : i32
        %dma_wait3A_503 = tpu.memref_slice %arg3[%dma_wait3A_495, %add3A, %dma_wait3A_496, %dma_wait3A_501, %dma_wait3A_502] : memref<2x32x10x8x128xi32, #tpu.memory_space<hbm>> -> memref<1x1x1x8x128xi32, #tpu.memory_space<hbm>>
        %dma_wait3A_504 = tpu.memref_squeeze %dma_wait3A_503 : memref<1x1x1x8x128xi32, #tpu.memory_space<hbm>> -> memref<8x128xi32, #tpu.memory_space<hbm>>
        tpu.wait_dma2 semaphore(%arg12 : memref<!tpu.dma_semaphore, #tpu.memory_space<semaphore_mem>>) src(%dma_wait3A_504 : memref<8x128xi32, #tpu.memory_space<hbm>>) dst(%arg6 : memref<8x128xi32, #tpu.memory_space<vmem>>)
      } else {
      }
      %run_scoped3A_454 = arith.constant 6 : i32
      "tpu.region"() ({
        %run_scoped3A_485 = tpu.sem_alloc : memref<!tpu.dma_semaphore, #tpu.memory_space<semaphore_mem>>
        %dma_start3A_486 = arith.constant 0 : i32
        %dma_start3A_487 = tpu.memref_slice %arg8[%run_scoped3A_454, %dma_start3A_486] : memref<8x128xi32, #tpu.memory_space<vmem>> -> memref<1x128xi32, #tpu.memory_space<vmem>>
        %dma_start3A_488 = tpu.memref_squeeze %dma_start3A_487 : memref<1x128xi32, #tpu.memory_space<vmem>> -> memref<128xi32, #tpu.memory_space<vmem>>
        %dma_start3A_489 = arith.constant 0 : i32
        %dma_start3A_490 = arith.constant 0 : i32
        %dma_start3A_491 = tpu.memref_slice %arg17[%dma_start3A_489, %dma_start3A_490] : memref<10240x128xf32, #tpu.memory_space<vmem_shared>> -> memref<10240x128xf32, #tpu.memory_space<vmem_shared>>
        tpu.enqueue_indirect_dma source(%arg9 : memref<128x128xf32, #tpu.memory_space<vmem>>) target(%dma_start3A_491 : memref<10240x128xf32, #tpu.memory_space<vmem_shared>>) offsets(%dma_start3A_488 : memref<128xi32, #tpu.memory_space<vmem>>) semaphore(%run_scoped3A_485 : memref<!tpu.dma_semaphore, #tpu.memory_space<semaphore_mem>>) {add = true}
        %dma_wait3A_492 = arith.constant 0 : i32
        %dma_wait3A_493 = tpu.memref_slice %arg8[%run_scoped3A_454, %dma_wait3A_492] : memref<8x128xi32, #tpu.memory_space<vmem>> -> memref<1x128xi32, #tpu.memory_space<vmem>>
        %dma_wait3A_494 = tpu.memref_squeeze %dma_wait3A_493 : memref<1x128xi32, #tpu.memory_space<vmem>> -> memref<128xi32, #tpu.memory_space<vmem>>
        %dma_wait3A_495 = arith.constant 0 : i32
        %dma_wait3A_496 = arith.constant 0 : i32
        %dma_wait3A_497 = tpu.memref_slice %arg17[%dma_wait3A_495, %dma_wait3A_496] : memref<10240x128xf32, #tpu.memory_space<vmem_shared>> -> memref<10240x128xf32, #tpu.memory_space<vmem_shared>>
        tpu.wait_indirect_dma semaphore(%run_scoped3A_485 : memref<!tpu.dma_semaphore, #tpu.memory_space<semaphore_mem>>) src(%arg9 : memref<128x128xf32, #tpu.memory_space<vmem>>) dst(%dma_wait3A_497 : memref<10240x128xf32, #tpu.memory_space<vmem_shared>>)
        tpu.yield
      }) : () -> ()
      %add3A_455 = arith.constant 1 : i32
      %add3A_456 = arith.addi %add3A_349, %add3A_455 : i32
      %lt3A_457 = arith.constant 10 : i32
      %lt3A_458 = arith.cmpi slt, %add3A_456, %lt3A_457 : i32
      %convert_element_type3A_459 = arith.extui %lt3A_458 : i1 to i32
      %cond3A_460 = arith.constant 0 : i32
      %cond3A_461 = arith.cmpi ne, %convert_element_type3A_459, %cond3A_460 : i32
      scf.if %cond3A_461 {
        %dma_start3A_485 = arith.constant 0 : i32
        %dma_start3A_486 = arith.constant 0 : i32
        %dma_start3A_487 = tpu.memref_slice %arg5[%dma_start3A_485, %dma_start3A_486] : memref<8x128xi32, #tpu.memory_space<vmem>> -> memref<1x128xi32, #tpu.memory_space<vmem>>
        %dma_start3A_488 = tpu.memref_squeeze %dma_start3A_487 : memref<1x128xi32, #tpu.memory_space<vmem>> -> memref<128xi32, #tpu.memory_space<vmem>>
        %dma_start3A_489 = arith.constant 0 : i32
        %dma_start3A_490 = arith.constant 0 : i32
        %dma_start3A_491 = tpu.memref_slice %arg2[%dma_start3A_489, %dma_start3A_490] : memref<10000x128xf32, #tpu.memory_space<hbm>> -> memref<10000x128xf32, #tpu.memory_space<hbm>>
        tpu.enqueue_indirect_dma source(%dma_start3A_491 : memref<10000x128xf32, #tpu.memory_space<hbm>>) target(%arg9 : memref<128x128xf32, #tpu.memory_space<vmem>>) offsets(%dma_start3A_488 : memref<128xi32, #tpu.memory_space<vmem>>) semaphore(%arg14 : memref<!tpu.dma_semaphore, #tpu.memory_space<semaphore_mem>>)
      } else {
      }
      %dma_wait3A_462 = arith.constant 7 : i32
      %dma_wait3A_463 = arith.constant 0 : i32
      %dma_wait3A_464 = tpu.memref_slice %arg7[%dma_wait3A_462, %dma_wait3A_463] : memref<8x128xi32, #tpu.memory_space<vmem>> -> memref<1x128xi32, #tpu.memory_space<vmem>>
      %dma_wait3A_465 = tpu.memref_squeeze %dma_wait3A_464 : memref<1x128xi32, #tpu.memory_space<vmem>> -> memref<128xi32, #tpu.memory_space<vmem>>
      %dma_wait3A_466 = arith.constant 0 : i32
      %dma_wait3A_467 = arith.constant 0 : i32
      %dma_wait3A_468 = tpu.memref_slice %arg2[%dma_wait3A_466, %dma_wait3A_467] : memref<10000x128xf32, #tpu.memory_space<hbm>> -> memref<10000x128xf32, #tpu.memory_space<hbm>>
      tpu.wait_indirect_dma semaphore(%arg15 : memref<!tpu.dma_semaphore, #tpu.memory_space<semaphore_mem>>) src(%dma_wait3A_468 : memref<10000x128xf32, #tpu.memory_space<hbm>>) dst(%arg10 : memref<128x128xf32, #tpu.memory_space<vmem>>)
      %run_scoped3A_469 = arith.constant 7 : i32
      "tpu.region"() ({
        %run_scoped3A_485 = tpu.sem_alloc : memref<!tpu.dma_semaphore, #tpu.memory_space<semaphore_mem>>
        %dma_start3A_486 = arith.constant 0 : i32
        %dma_start3A_487 = tpu.memref_slice %arg8[%run_scoped3A_469, %dma_start3A_486] : memref<8x128xi32, #tpu.memory_space<vmem>> -> memref<1x128xi32, #tpu.memory_space<vmem>>
        %dma_start3A_488 = tpu.memref_squeeze %dma_start3A_487 : memref<1x128xi32, #tpu.memory_space<vmem>> -> memref<128xi32, #tpu.memory_space<vmem>>
        %dma_start3A_489 = arith.constant 0 : i32
        %dma_start3A_490 = arith.constant 0 : i32
        %dma_start3A_491 = tpu.memref_slice %arg17[%dma_start3A_489, %dma_start3A_490] : memref<10240x128xf32, #tpu.memory_space<vmem_shared>> -> memref<10240x128xf32, #tpu.memory_space<vmem_shared>>
        tpu.enqueue_indirect_dma source(%arg10 : memref<128x128xf32, #tpu.memory_space<vmem>>) target(%dma_start3A_491 : memref<10240x128xf32, #tpu.memory_space<vmem_shared>>) offsets(%dma_start3A_488 : memref<128xi32, #tpu.memory_space<vmem>>) semaphore(%run_scoped3A_485 : memref<!tpu.dma_semaphore, #tpu.memory_space<semaphore_mem>>) {add = true}
        %dma_wait3A_492 = arith.constant 0 : i32
        %dma_wait3A_493 = tpu.memref_slice %arg8[%run_scoped3A_469, %dma_wait3A_492] : memref<8x128xi32, #tpu.memory_space<vmem>> -> memref<1x128xi32, #tpu.memory_space<vmem>>
        %dma_wait3A_494 = tpu.memref_squeeze %dma_wait3A_493 : memref<1x128xi32, #tpu.memory_space<vmem>> -> memref<128xi32, #tpu.memory_space<vmem>>
        %dma_wait3A_495 = arith.constant 0 : i32
        %dma_wait3A_496 = arith.constant 0 : i32
        %dma_wait3A_497 = tpu.memref_slice %arg17[%dma_wait3A_495, %dma_wait3A_496] : memref<10240x128xf32, #tpu.memory_space<vmem_shared>> -> memref<10240x128xf32, #tpu.memory_space<vmem_shared>>
        tpu.wait_indirect_dma semaphore(%run_scoped3A_485 : memref<!tpu.dma_semaphore, #tpu.memory_space<semaphore_mem>>) src(%arg10 : memref<128x128xf32, #tpu.memory_space<vmem>>) dst(%dma_wait3A_497 : memref<10240x128xf32, #tpu.memory_space<vmem_shared>>)
        tpu.yield
      }) : () -> ()
      %add3A_470 = arith.constant 1 : i32
      %add3A_471 = arith.addi %add3A_349, %add3A_470 : i32
      %lt3A_472 = arith.constant 10 : i32
      %lt3A_473 = arith.cmpi slt, %add3A_471, %lt3A_472 : i32
      %convert_element_type3A_474 = arith.extui %lt3A_473 : i1 to i32
      %cond3A_475 = arith.constant 0 : i32
      %cond3A_476 = arith.cmpi ne, %convert_element_type3A_474, %cond3A_475 : i32
      scf.if %cond3A_476 {
        %dma_start3A_485 = arith.constant 1 : i32
        %dma_start3A_486 = arith.constant 0 : i32
        %dma_start3A_487 = tpu.memref_slice %arg5[%dma_start3A_485, %dma_start3A_486] : memref<8x128xi32, #tpu.memory_space<vmem>> -> memref<1x128xi32, #tpu.memory_space<vmem>>
        %dma_start3A_488 = tpu.memref_squeeze %dma_start3A_487 : memref<1x128xi32, #tpu.memory_space<vmem>> -> memref<128xi32, #tpu.memory_space<vmem>>
        %dma_start3A_489 = arith.constant 0 : i32
        %dma_start3A_490 = arith.constant 0 : i32
        %dma_start3A_491 = tpu.memref_slice %arg2[%dma_start3A_489, %dma_start3A_490] : memref<10000x128xf32, #tpu.memory_space<hbm>> -> memref<10000x128xf32, #tpu.memory_space<hbm>>
        tpu.enqueue_indirect_dma source(%dma_start3A_491 : memref<10000x128xf32, #tpu.memory_space<hbm>>) target(%arg10 : memref<128x128xf32, #tpu.memory_space<vmem>>) offsets(%dma_start3A_488 : memref<128xi32, #tpu.memory_space<vmem>>) semaphore(%arg15 : memref<!tpu.dma_semaphore, #tpu.memory_space<semaphore_mem>>)
      } else {
      }
      %add3A_477 = arith.constant 2 : i32
      %add3A_478 = arith.addi %add3A_349, %add3A_477 : i32
      %lt3A_479 = arith.constant 10 : i32
      %lt3A_480 = arith.cmpi slt, %add3A_478, %lt3A_479 : i32
      %convert_element_type3A_481 = arith.extui %lt3A_480 : i1 to i32
      %cond3A_482 = arith.constant 0 : i32
      %cond3A_483 = arith.cmpi ne, %convert_element_type3A_481, %cond3A_482 : i32
      scf.if %cond3A_483 {
        %add3A_485 = arith.constant 2 : i32
        %add3A_486 = arith.addi %add3A_349, %add3A_485 : i32
        %dma_start3A_487 = arith.constant 0 : i32
        %dma_start3A_488 = arith.constant 0 : i32
        %dma_start3A_489 = arith.constant 0 : i32
        %dma_start3A_490 = tpu.memref_slice %arg3[%dma_start3A_487, %add3A, %add3A_486, %dma_start3A_488, %dma_start3A_489] : memref<2x32x10x8x128xi32, #tpu.memory_space<hbm>> -> memref<1x1x1x8x128xi32, #tpu.memory_space<hbm>>
        %dma_start3A_491 = tpu.memref_squeeze %dma_start3A_490 : memref<1x1x1x8x128xi32, #tpu.memory_space<hbm>> -> memref<8x128xi32, #tpu.memory_space<hbm>>
        %dma_start3A_492 = arith.constant 0 : i32
        %dma_start3A_493 = arith.constant 0 : i32
        %dma_start3A_494 = tpu.memref_slice %arg3[%dma_start3A_487, %add3A, %add3A_486, %dma_start3A_492, %dma_start3A_493] : memref<2x32x10x8x128xi32, #tpu.memory_space<hbm>> -> memref<1x1x1x8x128xi32, #tpu.memory_space<hbm>>
        %dma_start3A_495 = tpu.memref_squeeze %dma_start3A_494 : memref<1x1x1x8x128xi32, #tpu.memory_space<hbm>> -> memref<8x128xi32, #tpu.memory_space<hbm>>
        tpu.enqueue_dma source(%dma_start3A_495 : memref<8x128xi32, #tpu.memory_space<hbm>>) target(%arg7 : memref<8x128xi32, #tpu.memory_space<vmem>>) target_semaphore(%arg13 : memref<!tpu.dma_semaphore, #tpu.memory_space<semaphore_mem>>)
        %dma_start3A_496 = arith.constant 1 : i32
        %dma_start3A_497 = arith.constant 0 : i32
        %dma_start3A_498 = arith.constant 0 : i32
        %dma_start3A_499 = tpu.memref_slice %arg3[%dma_start3A_496, %add3A, %add3A_486, %dma_start3A_497, %dma_start3A_498] : memref<2x32x10x8x128xi32, #tpu.memory_space<hbm>> -> memref<1x1x1x8x128xi32, #tpu.memory_space<hbm>>
        %dma_start3A_500 = tpu.memref_squeeze %dma_start3A_499 : memref<1x1x1x8x128xi32, #tpu.memory_space<hbm>> -> memref<8x128xi32, #tpu.memory_space<hbm>>
        %dma_start3A_501 = arith.constant 0 : i32
        %dma_start3A_502 = arith.constant 0 : i32
        %dma_start3A_503 = tpu.memref_slice %arg3[%dma_start3A_496, %add3A, %add3A_486, %dma_start3A_501, %dma_start3A_502] : memref<2x32x10x8x128xi32, #tpu.memory_space<hbm>> -> memref<1x1x1x8x128xi32, #tpu.memory_space<hbm>>
        %dma_start3A_504 = tpu.memref_squeeze %dma_start3A_503 : memref<1x1x1x8x128xi32, #tpu.memory_space<hbm>> -> memref<8x128xi32, #tpu.memory_space<hbm>>
        tpu.enqueue_dma source(%dma_start3A_504 : memref<8x128xi32, #tpu.memory_space<hbm>>) target(%arg8 : memref<8x128xi32, #tpu.memory_space<vmem>>) target_semaphore(%arg13 : memref<!tpu.dma_semaphore, #tpu.memory_space<semaphore_mem>>)
      } else {
      }
      %scan3A_484 = arith.constant 0 : i32
      scf.yield %scan3A_484 : i32
    }
    %scan3A_208 = arith.constant 5 : i32
    %barrier3A_209 = arith.constant 0 : index
    tpu.barrier barrier_id(%barrier3A_209)
    "tpu.region"() ({
      %run_scoped3A = tpu.sem_alloc : memref<!tpu.dma_semaphore, #tpu.memory_space<semaphore_mem>>
      %dma_start3A_210 = arith.constant 0 : i32
      %dma_start3A_211 = tpu.memref_slice %arg4[%arg0, %mul3A_9, %dma_start3A_210] : memref<2x10240x128xf32, #tpu.memory_space<hbm>> -> memref<1x640x128xf32, #tpu.memory_space<hbm>>
      %dma_start3A_212 = tpu.memref_squeeze %dma_start3A_211 : memref<1x640x128xf32, #tpu.memory_space<hbm>> -> memref<640x128xf32, #tpu.memory_space<hbm>>
      %dma_start3A_213 = arith.constant 0 : i32
      %dma_start3A_214 = tpu.memref_slice %arg17[%mul3A_9, %dma_start3A_213] : memref<10240x128xf32, #tpu.memory_space<vmem_shared>> -> memref<640x128xf32, #tpu.memory_space<vmem_shared>>
      tpu.enqueue_dma source(%dma_start3A_214 : memref<640x128xf32, #tpu.memory_space<vmem_shared>>) target(%dma_start3A_212 : memref<640x128xf32, #tpu.memory_space<hbm>>) target_semaphore(%run_scoped3A : memref<!tpu.dma_semaphore, #tpu.memory_space<semaphore_mem>>)
      %dma_wait3A_215 = arith.constant 0 : i32
      %dma_wait3A_216 = tpu.memref_slice %arg4[%arg0, %mul3A_9, %dma_wait3A_215] : memref<2x10240x128xf32, #tpu.memory_space<hbm>> -> memref<1x640x128xf32, #tpu.memory_space<hbm>>
      %dma_wait3A_217 = tpu.memref_squeeze %dma_wait3A_216 : memref<1x640x128xf32, #tpu.memory_space<hbm>> -> memref<640x128xf32, #tpu.memory_space<hbm>>
      %dma_wait3A_218 = arith.constant 0 : i32
      %dma_wait3A_219 = tpu.memref_slice %arg17[%mul3A_9, %dma_wait3A_218] : memref<10240x128xf32, #tpu.memory_space<vmem_shared>> -> memref<640x128xf32, #tpu.memory_space<vmem_shared>>
      tpu.wait_dma2 semaphore(%run_scoped3A : memref<!tpu.dma_semaphore, #tpu.memory_space<semaphore_mem>>) src(%dma_wait3A_219 : memref<640x128xf32, #tpu.memory_space<vmem_shared>>) dst(%dma_wait3A_217 : memref<640x128xf32, #tpu.memory_space<hbm>>)
      tpu.yield
    }) : () -> ()
    return
  }
}

module attributes {stable_mosaic.version = 14 : i64} {
  func.func @_combine_body(%arg0: i32, %arg1: memref<2x2048x128xf32, #tpu.memory_space<vmem>>, %arg2: memref<128x128xf32, #tpu.memory_space<vmem>>, %arg3: memref<1x128xf32, #tpu.memory_space<vmem>>, %arg4: memref<2048x128xf32, #tpu.memory_space<vmem>>) attributes {dimension_semantics = [#tpu.dimension_semantics<arbitrary>], iteration_bounds = array<i64: 5>, scalar_prefetch = 0 : i64, scratch_operands = 0 : i64, tpu.core_type = #tpu.core_type<tc>, window_params = [{transform_indices = @transform_0, window_bounds = array<i64: 2, 2048, 128>}, {pipeline_mode = #tpu.pipeline_mode<synchronous>, transform_indices = @transform_1, window_bounds = array<i64: 128, 128>}, {pipeline_mode = #tpu.pipeline_mode<synchronous>, transform_indices = @transform_2, window_bounds = array<i64: 1, 128>}, {transform_indices = @transform_3, window_bounds = array<i64: 2048, 128>}]} {
    %get3A = arith.constant 0 : index
    %get3A_0 = arith.constant 0 : index
    %get3A_1 = arith.constant 0 : index
    %get3A_2 = vector.load %arg1[%get3A, %get3A_0, %get3A_1] : memref<2x2048x128xf32, #tpu.memory_space<vmem>>, vector<1x2048x128xf32>
    %get3A_3 = vector.shape_cast %get3A_2 : vector<1x2048x128xf32> to vector<2048x128xf32>
    %get3A_4 = arith.constant 1 : index
    %get3A_5 = arith.constant 0 : index
    %get3A_6 = arith.constant 0 : index
    %get3A_7 = vector.load %arg1[%get3A_4, %get3A_5, %get3A_6] : memref<2x2048x128xf32, #tpu.memory_space<vmem>>, vector<1x2048x128xf32>
    %get3A_8 = vector.shape_cast %get3A_7 : vector<1x2048x128xf32> to vector<2048x128xf32>
    %add3A = arith.addf %get3A_3, %get3A_8 : vector<2048x128xf32>
    %get3A_9 = arith.constant 0 : index
    %get3A_10 = arith.constant 0 : index
    %get3A_11 = vector.load %arg2[%get3A_9, %get3A_10] : memref<128x128xf32, #tpu.memory_space<vmem>>, vector<128x128xf32>
    %dot_general3A = arith.constant dense<0.000000e+00> : vector<2048x128xf32>
    %dot_general3A_12 = tpu.matmul %add3A, %get3A_11, %dot_general3A {dimension_numbers = #tpu.dot_dimension_numbers<[1], [0], [0], [1], [0, 0, 1, 1], [], []>, transpose_lhs_hint = false} : vector<2048x128xf32>, vector<128x128xf32>, vector<2048x128xf32> -> vector<2048x128xf32>
    %get3A_13 = arith.constant 0 : index
    %get3A_14 = arith.constant 0 : index
    %get3A_15 = vector.load %arg3[%get3A_13, %get3A_14] : memref<1x128xf32, #tpu.memory_space<vmem>>, vector<1x128xf32>
    %add3A_16 = vector.broadcast %get3A_15 : vector<1x128xf32> to vector<2048x128xf32>
    %add3A_17 = arith.addf %dot_general3A_12, %add3A_16 : vector<2048x128xf32>
    %swap3A = arith.constant 0 : index
    %swap3A_18 = arith.constant 0 : index
    %swap3A_19 = vector.load %arg4[%swap3A, %swap3A_18] : memref<2048x128xf32, #tpu.memory_space<vmem>>, vector<2048x128xf32>
    tpu.vector_store %arg4[%swap3A, %swap3A_18], %add3A_17 {strides = array<i32>} : memref<2048x128xf32, #tpu.memory_space<vmem>>, vector<2048x128xf32>,
    return
  }
  func.func @transform_0(%arg0: i32) -> (i32, i32, i32) {
    %c0_i32 = arith.constant 0 : i32
    %c0_i32_0 = arith.constant 0 : i32
    %c0_i32_1 = arith.constant 0 : i32
    return %c0_i32, %arg0, %c0_i32_0 : i32, i32, i32
  }
  func.func @transform_1(%arg0: i32) -> (i32, i32) {
    %c0_i32 = arith.constant 0 : i32
    %c0_i32_0 = arith.constant 0 : i32
    %c0_i32_1 = arith.constant 0 : i32
    return %c0_i32, %c0_i32_0 : i32, i32
  }
  func.func @transform_2(%arg0: i32) -> (i32, i32) {
    %c0_i32 = arith.constant 0 : i32
    %c0_i32_0 = arith.constant 0 : i32
    %c0_i32_1 = arith.constant 0 : i32
    return %c0_i32, %c0_i32_0 : i32, i32
  }
  func.func @transform_3(%arg0: i32) -> (i32, i32) {
    %c0_i32 = arith.constant 0 : i32
    %c0_i32_0 = arith.constant 0 : i32
    return %arg0, %c0_i32 : i32, i32
  }
}

</mosaic_0001>

<sc_bundles>
// kernel: kernel.4.cloned.1.call-start
scs
__scs_entry_jumppad:
0x0: {  	(pc) =	sbr.rel $0x88, $3  }
0x1: {  	(tag) =	ssettag $0x0;
	lr =	simm.s32 $0x1  }
0x2: {  	[smem:$0x3F9D] =	sst lr;
	_ =	strace $0xD0000000  }
0x3: {  	_ = 	snop  }
0x4: {  	_ = 	snop  }
0x5: {  	_ = 	snop  }
0x6: {  	_ = 	snop  }
0x7: {  	_ = 	snop  }
__scs_overlays_trampoline_lowered:
0x8: {  	[smem:$0x3FAC] =	sst s0  }
0x9: {  	[smem:$0x3FAD] =	sst s1  }
0xa: {  	[smem:$0x3FAE] =	sst s2  }
0xb: {  	[smem:$0x3FAF] =	sst s3  }
0xc: {  	[smem:$0x3FB0] =	sst s4  }
0xd: {  	[smem:$0x3FB1] =	sst s5  }
0xe: {  	[smem:$0x3FB2] =	sst s6  }
0xf: {  	[smem:$0x3FB3] =	sst s7  }
0x10: {  	[smem:$0x3FB4] =	sst s8  }
0x11: {  	[smem:$0x3FB5] =	sst s9;
	s0 =	simm.s32 @!p0 $0x0  }
0x12: {  	s1 =	sld [smem:$0x3F9B];
	s0 =	simm.s32 @p0 $0x1  }
0x13: {  	[smem:$0x3FB6] =	sst s0;
	s0 =	simm.s32 @!p1 $0x0  }
0x14: {  	s2 =	sld [smem:$0x3F9A];
	s0 =	simm.s32 @p1 $0x1  }
0x15: {  	[smem:$0x3FB7] =	sst s0;
	s0 =	simm.s32 @!p2 $0x0  }
0x16: {  	s3 =	sld [smem:$0x3FDB];
	s0 =	simm.s32 @p2 $0x1  }
0x17: {  	s4 =	simm.s32 $0x1BF5;
	[smem:$0x3FB9] =	sst s0  }
0x18: {  	s0 =	sld [smem:$0x3F9C];
	_ =	swait.ge [sflag:s4], $0x0  }
0x19: {  	s7 =	sld [smem:$0x3F9D]  }
0x1a: {  	s8 =	sadd.s32 $0xFFFFE003, lr  }
0x1b: {  	s9 =	sadd.s32 $0xFFFFFEF7, lr;
	s5 =	simm.s32 $0xFFFFFFFF;
	p2 =	slt.u32 s8, $0xFFFFF086  }
0x1c: {  	p1 =	slt.u32 s9, $0xF7A;
	s5 =	simm.s32 @!p2 $0x0  }
0x1d: {  	s5 =	simm.s32 @p1 $0x1;
	p0 =	seq.s32 s7, s2  }
0x1e: {  	s7 =	smul.u32 @!p0 $0xF7A, s2;
	p2 =	seq.s32 @!p0 s5, $0x0  }
0x1f: {  	s9 =	smul.u32 $0xF7A, s1;
	s8 =	simm.s32 @!p0 $0x1BF5;
	p2 =	por !p2, p0  }
0x20: {  	[sflag:s8] =	ssyncset.s32 @!p0 $0xFFFFF086;
	s6 =	sadd.s32 @!p0 s3, s7;
	s7 =	simm.s32 @!p0 $0x108  }
0x21: {  	s3 =	sadd.s32 s3, s9;
	s6 =	sadd.s32 @!p0 $0x88, s6;
	s7 =	simm.s32 @p2 $0x1082  }
0x22: {  	[simem:s7], [sflag:s8] =	dma.local @!p0 [hbm:s6], $0xF7A  }
0x23: {  	s9 =	sor.u32 $0xD0000000, s2;
	s6 =	simm.s32 $0x108;
	_ =	swait.ge @!p0 [sflag:s8], $0x0  }
0x24: {  	s3 =	sadd.s32 $0x88, s3;
	s6 =	simm.s32 @!p1 $0x1082;
	[sflag:s4] =	ssyncset.s32 $0xFFFFF086  }
0x25: {  	[simem:s6], [sflag:s4] =	dma.local [hbm:s3], $0xF7A  }
0x26: {  	[smem:$0x3F9D] =	sst s1;
	(tag) =	ssettag s2;
	_ =	strace s9  }
0x27: {  	s1 =	sld [smem:$0x3FAD]  }
0x28: {  	s2 =	sld [smem:$0x3FAE]  }
0x29: {  	s4 =	sld [smem:$0x3FB0]  }
0x2a: {  	p0 =	seq.s32 s5, $0x0;
	s5 =	sld [smem:$0x3FB1]  }
0x2b: {  	s6 =	sld [smem:$0x3FB2]  }
0x2c: {  	s7 =	sld [smem:$0x3FB3]  }
0x2d: {  	s3 =	simm.s32 $0x108;
	s8 =	sld [smem:$0x3FB4]  }
0x2e: {  	s3 =	simm.s32 @!p0 $0x1082;
	s9 =	sld [smem:$0x3FB5]  }
0x2f: {  	lr =	sadd.s32 s0, s3;
	s0 =	sld [smem:$0x3FAC]  }
0x30: {  	s3 =	sld [smem:$0x3FAF]  }
0x31: {  	[smem:$0x3FB8] =	sst s10  }
0x32: {  	s10 =	sld [smem:$0x3FB6];
	_ =	sdelay $0x3  }
0x33: {  	p0 =	seq.s32 s10, $0x1;
	s10 =	sld [smem:$0x3FB8];
	_ =	sdelay $0x3  }
0x34: {  	[smem:$0x3FB8] =	sst s10  }
0x35: {  	s10 =	sld [smem:$0x3FB7];
	_ =	sdelay $0x3  }
0x36: {  	p1 =	seq.s32 s10, $0x1;
	s10 =	sld [smem:$0x3FB8];
	_ =	sdelay $0x3  }
0x37: {  	[smem:$0x3FB8] =	sst s10  }
0x38: {  	s10 =	sld [smem:$0x3FB9]  }
0x39: {  	_ = 	snop;
	(pc) =	sbr.ind lr, $3  }
0x3a: {  	_ = 	snop  }
0x3b: {  	_ = 	snop  }
0x3c: {  	p2 =	seq.s32 s10, $0x1;
	s10 =	sld [smem:$0x3FB8]  }
0x3d: {  	_ =	shalt  }
0x3e: {  	_ =	shalt  }
0x3f: {  	_ =	shalt  }
0x40: {  	_ =	shalt  }
0x41: {  	_ =	shalt  }
0x42: {  	_ =	shalt  }
0x43: {  	_ =	shalt  }
0x44: {  	_ =	shalt  }
0x45: {  	_ =	shalt  }
0x46: {  	_ =	shalt  }
0x47: {  	_ =	shalt  }
0x48: {  	_ =	shalt  }
0x49: {  	_ =	shalt  }
0x4a: {  	_ =	shalt  }
0x4b: {  	_ =	shalt  }
0x4c: {  	_ =	shalt  }
0x4d: {  	_ =	shalt  }
0x4e: {  	_ =	shalt  }
0x4f: {  	_ =	shalt  }
0x50: {  	_ =	shalt  }
0x51: {  	_ =	shalt  }
0x52: {  	_ =	shalt  }
0x53: {  	_ =	shalt  }
0x54: {  	_ =	shalt  }
0x55: {  	_ =	shalt  }
0x56: {  	_ =	shalt  }
0x57: {  	_ =	shalt  }
0x58: {  	_ =	shalt  }
0x59: {  	_ =	shalt  }
0x5a: {  	_ =	shalt  }
0x5b: {  	_ =	shalt  }
0x5c: {  	_ =	shalt  }
0x5d: {  	_ =	shalt  }
0x5e: {  	_ =	shalt  }
0x5f: {  	_ =	shalt  }
0x60: {  	_ =	shalt  }
0x61: {  	_ =	shalt  }
0x62: {  	_ =	shalt  }
0x63: {  	_ =	shalt  }
0x64: {  	_ =	shalt  }
0x65: {  	_ =	shalt  }
0x66: {  	_ =	shalt  }
0x67: {  	_ =	shalt  }
0x68: {  	_ =	shalt  }
0x69: {  	_ =	shalt  }
0x6a: {  	_ =	shalt  }
0x6b: {  	_ =	shalt  }
0x6c: {  	_ =	shalt  }
0x6d: {  	_ =	shalt  }
0x6e: {  	_ =	shalt  }
0x6f: {  	_ =	shalt  }
0x70: {  	_ =	shalt  }
0x71: {  	_ =	shalt  }
0x72: {  	_ =	shalt  }
0x73: {  	_ =	shalt  }
0x74: {  	_ =	shalt  }
0x75: {  	_ =	shalt  }
0x76: {  	_ =	shalt  }
0x77: {  	_ =	shalt  }
0x78: {  	_ =	shalt  }
0x79: {  	_ =	shalt  }
0x7a: {  	_ =	shalt  }
0x7b: {  	_ =	shalt  }
0x7c: {  	_ =	shalt  }
0x7d: {  	_ =	shalt  }
0x7e: {  	_ =	shalt  }
0x7f: {  	_ =	shalt  }
0x80: {  	_ =	shalt  }
0x81: {  	_ =	shalt  }
0x82: {  	_ =	shalt  }
0x83: {  	_ =	shalt  }
0x84: {  	_ =	shalt  }
0x85: {  	_ =	shalt  }
0x86: {  	_ =	shalt  }
0x87: {  	_ =	shalt  }
.Lfunc_end0:
.L_simem_size_0:
called_computation_lowered:
.L_overlay_start_0:
0x88: {  	s2 =	sld [smem:$0x3FD9]  }
0x89: {  	s3 =	sld [smem:$0x3FFE];
	_ =	sdelay $0x1  }
0x8a: {  	s1 =	srdreg.scid  }
0x8b: {  	s0 =	sand.u32 $0x1, s1  }
0x8c: {  	s17 =	sshll.u32 s0, $0xA;
	s2 =	sadd.s32 s3, s2  }
0x8d: {  	s2 =	sadd.s32 s2, s17  }
0x8e: {  	[smem:$0x3FC4] =	sst s2  }
0x8f: {  	_ = 	snop  }
0x90: {  	s2 =	sld [smem:$0x3FC9]  }
0x91: {  	s18 =	sld [smem:$0x3FD0];
	(tm) =	ssettm $0x1  }
0x92: {  	s4 =	sld [smem:$0x3FFB];
	_ =	sdelay $0x3  }
0x93: {  	_ =	strace s4  }
0x94: {  	s4 =	sld [smem:$0x3FFC];
	_ =	sdelay $0x3  }
0x95: {  	_ =	strace s4  }
0x96: {  	s4 =	sld [smem:$0x3FFD];
	_ =	sdelay $0x3  }
0x97: {  	_ =	strace s4  }
0x98: {  	_ =	strace $0x8FFFFFFF  }
0x99: {  	s19 =	sld [smem:$0x3FDB];
	_ =	sdelay $0x1  }
0x9a: {  	s5 =	simm.s32 $_scs_section_size  }
0x9b: {  	s6 =	simm.s32 $_size__tile_overlayer_lowered;
	s7 =	simm.s32 $_tile_overlayer_lowered  }
0x9c: {  	s22 =	simm.s32 $0x1BFF;
	s21 =	sshll.u32 s7, $0x1;
	s4 =	sadd.s32 s5, s19  }
0x9d: {  	s8 =	simm.s32 $0x0;
	s20 =	sshll.u32 s6, $0x1;
	s6 =	sadd.s32 s21, s4  }
0x9e: {  	[timem:s8], [sflag:s22] =	dma.local [hbm:s6], s20  }
0x9f: {  	_ =	swait.ge [sflag:s22], s20  }
0xa0: {  	s5 =	ssub.s32 $0x0, s20;
	[sflag:s22] =	ssyncset.done $0x0  }
0xa1: {  	[sflag:s22] =	ssyncadd.s32 s5;
	_ =	sdelay $0x1  }
0xa2: {  	s23 =	simm.s32 $0x1B8B  }
0xa3: {  	_ =	swait.ge [sflag:s23], $0x1  }
0xa4: {  	[sflag:s23] =	ssyncset.done $0x0  }
0xa5: {  	s25 =	simm.s32 $0x1B8E;
	s24 =	sld [smem:$0x3FFE];
	[sflag:s23] =	ssyncadd.s32 $0xFFFFFFFF  }
0xa6: {  	s26 =	simm.s32 $execute0_lowered;
	[smem:$0x3FD2] =	sst s25  }
0xa7: {  	s6 =	sshll.u32 s26, $0x1;
	_ =	strace $0x80000046;
	[dreg:$0x1] =	wrdreg $0xFFFFFFFF  }
0xa8: {  	s28 =	simm.s32 $_size_execute0_lowered;
	s4 =	sadd.s32 s4, s6;
	[dreg:$0x0] =	wrdreg $0x0  }
0xa9: {  	s6 =	sshll.u32 s28, $0x1;
	[dreg:$0x2] =	wrdreg s4  }
0xaa: {  	[dreg:$0x3] =	wrdreg s6  }
0xab: {  	[dreg:$0x4] =	wrdreg $0xC0  }
0xac: {  	_ =	task [dreg:s8], $0x5FFFF  }
0xad: {  	[dreg:$0x1] =	wrdreg $0xFFFFFFFF  }
0xae: {  	[dreg:$0x0] =	wrdreg $0x60  }
0xaf: {  	[dreg:$0x2] =	wrdreg s2  }
0xb0: {  	[dreg:$0x3] =	wrdreg s18  }
0xb1: {  	[dreg:$0x4] =	wrdreg s24  }
0xb2: {  	[dreg:$0x5] =	wrdreg $0xB0000  }
0xb3: {  	[dreg:$0x6] =	wrdreg $0x9  }
0xb4: {  	_ =	task.clear_ibuf [dreg:s8], $0x7FFFF;
	_ =	strace $0x90000046  }
0xb5: {  	s29 =	simm.s32 $0x9;
	_ =	strace $0x80000048  }
0xb6: {  	_ =	swait.ge [sflag:s29], $0x1  }
0xb7: {  	[sflag:s29] =	ssyncadd.s32 $0xFFFFFFFF  }
0xb8: {  	_ =	strace $0x90000048  }
0xb9: {  	_ =	sfence  }
0xba: {  	s30 =	sld [smem:$0x0];
	_ =	sdelay $0x2  }
0xbb: {  	s31 =	sshll.u32 s1, $0xD;
	s1 =	sshrl.u32 s1, $0x2  }
0xbc: {  	s3 =	sand.u32 $0x4000, s31;
	s1 =	sadd.s32 s1, s30  }
0xbd: {  	s0 =	sor.u32 s3, s0;
	s1 =	sshll.u32 s1, $0x11  }
0xbe: {  	s0 =	sor.u32 s1, s0  }
0xbf: {  	s0 =	sadd.s32 $0x8F2B, s0  }
0xc0: {  	[sflag:s0] =	ssyncadd.remote.s32 $0x1  }
0xc1: {  	_ =	sfence.sel $0xFFFF  }
0xc2: {  	[dreg:$0x0] =	wrdreg $0xFFFFFFFF;
	(pc) =	sbr.abs _section_cstart, $3  }
0xc3: {  	[dreg:$0x1] =	wrdreg $0xFFFFFFFF  }
0xc4: {  	_ =	task.clear_ibuf [dreg:s8], $0x2FFFF;
	_ =	strace $0x9FFFFFFF  }
0xc5: {  	(tm) =	ssettm $0x7FFFFFFF  }
tec
execute0_lowered:
.L_overlay_start_1:
0x0: {  	(tag) =	ssettag $0x1  }
0x1: {  	s0 =	rddreg [dreg:$0x0]  }
0x2: {  	s10 =	rddreg [dreg:$0x1];
	s1 =	srdreg.scid  }
0x3: {  	s2 =	rddreg [dreg:$0x2];
	s9 =	stileid.u32  }
0x4: {  	s4 =	rddreg [dreg:$0x3];
	s6 =	smul.u32 $0x14000, s9  }
0x5: {  	s5 =	simm.s32 $0x0;
	s30 =	simm.s32 $0x800;
	s25 =	smul.u32 $0x50000, s9  }
0x6: {  	s31 =	simm.s32 $0xC00;
	s1 =	sand.u32 $0x1, s1;
	s20 =	smul.u32 $0x2800, s9  }
0x7: {  	s28 =	simm.s32 $0x980;
	[smem:$0x7FF] =	sst s5;
	s3 =	smul.u32 $0x140000, s1  }
0x8: {  	_ =	strace $0x80000047;
	s26 =	ssub.s32 $0x2, s1;
	s8 =	sshll.u32 s1, $0x4  }
0x9: {  	s1 =	smul.u32 $0x28000, s1;
	s3 =	sadd.s32 s6, s3;
	s6 =	sshrl.u32 s25, $0x2  }
0xa: {  	s7 =	sshrl.u32 s26, $0x1;
	s29 =	sor.u32 s9, s8;
	s11 =	sadd.s32 s6, s4  }
0xb: {  	s9 =	simm.s32 $0x3;
	s8 =	sadd.s32 $0x2000, s11;
	[dreg:$0x5] =	wrdreg s11  }
0xc: {  	s1 =	sadd.s32 s20, s1;
	s12 =	sadd.s32 $0x4000, s11;
	[dreg:$0x6] =	wrdreg s8  }
0xd: {  	s20 =	simm.s32 $0xE80;
	s13 =	sadd.s32 $0x6000, s11;
	[dreg:$0x7] =	wrdreg s12  }
0xe: {  	s3 =	sshrl.u32 s3, $0x3;
	s14 =	sadd.s32 $0x8000, s11;
	[dreg:$0x8] =	wrdreg s13  }
0xf: {  	s6 =	smul.u32 $0x2800, s29;
	s15 =	sadd.s32 $0xA000, s11;
	[dreg:$0x9] =	wrdreg s14  }
0x10: {  	s25 =	sadd.s32 $0x50C00, s1;
	s16 =	sadd.s32 $0xC000, s11;
	[dreg:$0xa] =	wrdreg s15  }
0x11: {  	s2 =	sadd.s32 s3, s2;
	s17 =	sadd.s32 $0xE000, s11;
	[dreg:$0xb] =	wrdreg s16  }
0x12: {  	s3 =	ssub.s32 s26, s7;
	s18 =	sadd.s32 $0x10000, s11;
	[dreg:$0xc] =	wrdreg s17  }
0x13: {  	s21 =	sadd.s32 $0x12000, s11;
	s26 =	sadd.s32 $0xC00, s1;
	[dreg:$0xd] =	wrdreg s18  }
0x14: {  	s6 =	sshrl.u32 s6, $0x3;
	[dreg:$0xf] =	wrdreg s21;
	s2 =	sadd.s32 $0xA00, s2  }
0x15: {  	s24 =	smax.u32 s3, $0x1;
	s3 =	sshrl.u32 s26, $0x3;
	s12 =	simm.s32 $0x4  }
0x16: {  	s13 =	simm.s32 $0xD00;
	s14 =	simm.s32 $0xA00;
	s16 =	simm.s32 $0xD80  }
0x17: {  	s17 =	simm.s32 $0xA80;
	s18 =	simm.s32 $0xE00;
	s21 =	simm.s32 $0xB80  }
0x18: {  	s8 =	simm.s32 $0x0;
	s19 =	sadd.s32 s10, s6;
	[dreg:$0x13] =	wrdreg s2  }
0x19: {  	[dreg:$0x14] =	wrdreg s24;
	s2 =	sshrl.u32 s25, $0x3;
	s6 =	sadd.s32 $0x50800, s1  }
0x1a: {  	s1 =	sadd.s32 $0x800, s1;
	s25 =	simm.s32 $0xF80;
	[dreg:$0xe] =	wrdreg s19  }
0x1b: {  	s22 =	sadd.s32 $0xA000, s19;
	s23 =	sadd.s32 $0x80, s19;
	[dreg:$0x15] =	wrdreg s1  }
.Ltmp0:
0x1c: {  	s7 =	sadd.s32 $0xA080, s19;
	[dreg:$0x10] =	wrdreg s22;
	(pc) =	sbr.rel .LBB2_1-.Ltmp0, $4  }
0x1d: {  	s29 =	sshrl.u32 s6, $0x3;
	s1 =	simm.s32 $0x1000;
	[dreg:$0x11] =	wrdreg s23  }
0x1e: {  	s6 =	simm.s32 $0x2;
	s19 =	simm.s32 $0xB00;
	[dreg:$0x12] =	wrdreg s7  }
0x1f: {  	s22 =	sadd.s32 s2, s10;
	s23 =	sadd.s32 s3, s10;
	s24 =	sadd.s32 s29, s10  }
0x20: {  	v0 =	vimm.f32 $0.0e+00;
	s3 =	simm.s32 $0x80;
	s7 =	simm.s32 $0x5000;
	s10 =	simm.s32 $0x6  }
.LBB2_6:
0x21: {  	s2 =	stileid.u32;
	[bflag:$0x0] =	sbarrier.arrive $0xFFFF  }
0x22: {  	s2 =	sshll.u32 s2, $0x6;
	s11 =	rddreg [dreg:$0x5]  }
0x23: {  	s15 =	rddreg [dreg:$0x13];
	s2 =	sor.u32 $0x1C06, s2;
	s8 =	sshrl.u32 s11, $0x3  }
0x24: {  	[hbm:s15], [sflag:s2] =	dma.local [spmem:s8], $0x2800  }
0x25: {  	_ =	swait.ge [sflag:s10], $0x2800  }
0x26: {  	s26 =	rddreg [dreg:$0x16]  }
0x27: {  	s29 =	rddreg [dreg:$0x14];
	s8 =	sadd.s32 $0x1, s26  }
0x28: {  	p0 =	sne.s32 s8, s29  }
.Ltmp1:
0x29: {  	_ = 	snop;
	(pc) =	sbr.rel @!p0 .LBB2_7-.Ltmp1, $3  }
0x2a: {  	_ =	sdelay $0x1  }
0x2b: {  	[sflag:s10] =	ssyncset.done $0x0  }
0x2c: {  	[sflag:s10] =	ssyncadd.s32 $0xFFFFD800  }
.LBB2_1:
0x2d: {  	[dreg:$0x16] =	wrdreg s8;
	s15 =	simm.s32 $0x0;
	s26 =	simm.s32 $0x200  }
.LBB2_2:
0x2e: {  	p0 =	sne.s32 s26, $0x7E00;
	[tilespmem:s15+$0x9070] =	vst v0  }
0x2f: {  	[tilespmem:s15+$0x9000] =	vst v0  }
0x30: {  	[tilespmem:s15+$0x9010] =	vst v0  }
.Ltmp2:
0x31: {  	[tilespmem:s15+$0x9020] =	vst v0;
	(pc) =	sbr.rel @p0 .LBB2_2-.Ltmp2, $4  }
0x32: {  	[tilespmem:s15+$0x9030] =	vst v0  }
0x33: {  	[tilespmem:s15+$0x9040] =	vst v0  }
0x34: {  	[tilespmem:s15+$0x9050] =	vst v0  }
0x35: {  	[tilespmem:s15+$0x9060] =	vst v0;
	s15 =	sshra.s32 s26, $0x2;
	s26 =	sadd.s32 $0x200, s26  }
0x36: {  	[tilespmem:s15+$0x9070] =	vst v0  }
0x37: {  	[tilespmem:s15+$0x9000] =	vst v0  }
0x38: {  	[tilespmem:s15+$0x9010] =	vst v0  }
0x39: {  	[tilespmem:s15+$0x9020] =	vst v0  }
0x3a: {  	[tilespmem:s15+$0x9030] =	vst v0  }
0x3b: {  	[tilespmem:s15+$0x9040] =	vst v0  }
0x3c: {  	[tilespmem:s15+$0x9050] =	vst v0  }
0x3d: {  	[tilespmem:s15+$0x9060] =	vst v0;
	s8 =	simm.s32 $0x9000  }
0x3e: {  	[spmem:s11] =	stream.linear.scatter [tilespmem:s8], [sflag:$0x5], $0x2000, $0x38;
	[tilespmem:$0x1F000] =	vst v63  }
0x3f: {  	s2 =	rddreg [dreg:$0x6]  }
0x40: {  	[spmem:s2] =	stream.linear.scatter [tilespmem:s8], [sflag:$0x5], $0x2000, $0x38;
	[tilespmem:$0x1F000] =	vst v63  }
0x41: {  	s11 =	rddreg [dreg:$0x7]  }
0x42: {  	[spmem:s11] =	stream.linear.scatter [tilespmem:s8], [sflag:$0x5], $0x2000, $0x38;
	[tilespmem:$0x1F000] =	vst v63  }
0x43: {  	s15 =	rddreg [dreg:$0x8]  }
0x44: {  	[spmem:s15] =	stream.linear.scatter [tilespmem:s8], [sflag:$0x5], $0x2000, $0x38;
	[tilespmem:$0x1F000] =	vst v63  }
0x45: {  	s26 =	rddreg [dreg:$0x9]  }
0x46: {  	[spmem:s26] =	stream.linear.scatter [tilespmem:s8], [sflag:$0x5], $0x2000, $0x38;
	[tilespmem:$0x1F000] =	vst v63  }
0x47: {  	s11 =	rddreg [dreg:$0xa]  }
0x48: {  	[spmem:s11] =	stream.linear.scatter [tilespmem:s8], [sflag:$0x5], $0x2000, $0x38;
	[tilespmem:$0x1F000] =	vst v63  }
0x49: {  	s15 =	rddreg [dreg:$0xb]  }
0x4a: {  	[spmem:s15] =	stream.linear.scatter [tilespmem:s8], [sflag:$0x5], $0x2000, $0x38;
	[tilespmem:$0x1F000] =	vst v63  }
0x4b: {  	s26 =	rddreg [dreg:$0xc]  }
0x4c: {  	[spmem:s26] =	stream.linear.scatter [tilespmem:s8], [sflag:$0x5], $0x2000, $0x38;
	[tilespmem:$0x1F000] =	vst v63  }
0x4d: {  	s11 =	rddreg [dreg:$0xd]  }
0x4e: {  	[spmem:s11] =	stream.linear.scatter [tilespmem:s8], [sflag:$0x5], $0x2000, $0x38;
	[tilespmem:$0x1F000] =	vst v63  }
0x4f: {  	s15 =	rddreg [dreg:$0xf]  }
0x50: {  	[spmem:s15] =	stream.linear.scatter [tilespmem:s8], [sflag:$0x5], $0x2000, $0x38;
	[tilespmem:$0x1F000] =	vst v63  }
0x51: {  	s26 =	rddreg [dreg:$0xe];
	s15 =	simm.s32 $0x0  }
0x52: {  	[tilespmem:s15], [sflag:$0x1] =	stream.linear.gather [hbm4b:s26+s15], $0x400, $0x38;
	[tilespmem:$0x1F000] =	vst v63  }
0x53: {  	s11 =	simm.s32 $0x400;
	s8 =	rddreg [dreg:$0x10];
	s26 =	simm.s32 $0x1  }
0x54: {  	[tilespmem:s11], [sflag:$0x1] =	stream.linear.gather [hbm4b:s8+s15], $0x400, $0x38;
	[tilespmem:$0x1F000] =	vst v63  }
0x55: {  	_ =	swait.ge [sflag:s26], $0x400  }
0x56: {  	[sflag:s26] =	ssyncset.done $0x0  }
0x57: {  	[sflag:s26] =	ssyncadd.s32 $0xFFFFFC00  }
0x58: {  	_ =	swait.ge [sflag:s26], $0x400  }
0x59: {  	[sflag:s26] =	ssyncset.done $0x0  }
0x5a: {  	s8 =	rddreg [dreg:$0x11];
	[sflag:s26] =	ssyncadd.s32 $0xFFFFFC00  }
0x5b: {  	[tilespmem:s30], [sflag:$0x2] =	stream.linear.gather [hbm4b:s8+s15], $0x400, $0x38;
	[tilespmem:$0x1F000] =	vst v63  }
0x5c: {  	s11 =	rddreg [dreg:$0x12]  }
0x5d: {  	[tilespmem:s31], [sflag:$0x2] =	stream.linear.gather [hbm4b:s11+s15], $0x400, $0x38;
	[tilespmem:$0x1F000] =	vst v63  }
0x5e: {  	_ = 	snop  }
0x5f: {  	[tilespmem:s1], [sflag:$0x3] =	stream.indirect.gather [hbm4b:s0+s3], $0x80, s15, s3, $0xb8;
	[tilespmem:$0x1F000] =	vst v63  }
0x60: {  	s26 =	simm.s32 $0x5  }
0x61: {  	[tilespmem:s7], [sflag:$0x4] =	stream.indirect.gather [hbm4b:s0+s3], $0x80, s3, s3, $0xb8;
	[tilespmem:$0x1F000] =	vst v63  }
0x62: {  	_ =	swait.ge [sflag:s26], $0x2000  }
0x63: {  	[sflag:s26] =	ssyncset.done $0x0  }
0x64: {  	[sflag:s26] =	ssyncadd.s32 $0xFFFFE000  }
0x65: {  	_ =	swait.ge [sflag:s26], $0x2000  }
0x66: {  	[sflag:s26] =	ssyncset.done $0x0  }
0x67: {  	[sflag:s26] =	ssyncadd.s32 $0xFFFFE000  }
0x68: {  	_ =	swait.ge [sflag:s26], $0x2000  }
0x69: {  	[sflag:s26] =	ssyncset.done $0x0  }
0x6a: {  	[sflag:s26] =	ssyncadd.s32 $0xFFFFE000  }
0x6b: {  	_ =	swait.ge [sflag:s26], $0x2000  }
0x6c: {  	[sflag:s26] =	ssyncset.done $0x0  }
0x6d: {  	[sflag:s26] =	ssyncadd.s32 $0xFFFFE000  }
0x6e: {  	_ =	swait.ge [sflag:s26], $0x2000  }
0x6f: {  	[sflag:s26] =	ssyncset.done $0x0  }
0x70: {  	[sflag:s26] =	ssyncadd.s32 $0xFFFFE000  }
0x71: {  	_ =	swait.ge [sflag:s26], $0x2000  }
0x72: {  	[sflag:s26] =	ssyncset.done $0x0  }
0x73: {  	[sflag:s26] =	ssyncadd.s32 $0xFFFFE000  }
0x74: {  	_ =	swait.ge [sflag:s26], $0x2000  }
0x75: {  	[sflag:s26] =	ssyncset.done $0x0  }
0x76: {  	[sflag:s26] =	ssyncadd.s32 $0xFFFFE000  }
0x77: {  	_ =	swait.ge [sflag:s26], $0x2000  }
0x78: {  	[sflag:s26] =	ssyncset.done $0x0  }
0x79: {  	[sflag:s26] =	ssyncadd.s32 $0xFFFFE000  }
0x7a: {  	_ =	swait.ge [sflag:s26], $0x2000  }
0x7b: {  	[sflag:s26] =	ssyncset.done $0x0  }
0x7c: {  	[sflag:s26] =	ssyncadd.s32 $0xFFFFE000  }
0x7d: {  	_ =	swait.ge [sflag:s26], $0x2000  }
0x7e: {  	[sflag:s26] =	ssyncset.done $0x0  }
0x7f: {  	[sflag:s26] =	ssyncadd.s32 $0xFFFFE000  }
0x80: {  	[bflag:$0x0] =	sbarrier.arrive $0xFFFF  }
0x81: {  	s29 =	rddreg [dreg:$0x15]  }
.LBB2_4:
0x82: {  	_ =	swait.ge [sflag:s9], $0x4000  }
0x83: {  	[sflag:s9] =	ssyncset.done $0x0  }
0x84: {  	s2 =	simm.s32 $0x400;
	[sflag:s9] =	ssyncadd.s32 $0xFFFFC000  }
0x85: {  	[spmem:s4] =	stream.indirect.scatter.add.f32 [tilespmem:s1], [sflag:$0x6], $0x80, s2, s3, $0xb8;
	[tilespmem:$0x1F000] =	vst v63  }
0x86: {  	_ =	swait.ge [sflag:s10], $0x4000  }
0x87: {  	[sflag:s10] =	ssyncset.done $0x0  }
0x88: {  	s11 =	simm.s32 $0x100;
	[sflag:s10] =	ssyncadd.s32 $0xFFFFC000  }
0x89: {  	[tilespmem:s1], [sflag:$0x3] =	stream.indirect.gather [hbm4b:s0+s3], $0x80, s11, s3, $0xb8;
	[tilespmem:$0x1F000] =	vst v63  }
0x8a: {  	_ =	swait.ge [sflag:s12], $0x4000  }
0x8b: {  	[sflag:s12] =	ssyncset.done $0x0  }
0x8c: {  	s26 =	simm.s32 $0x480;
	[sflag:s12] =	ssyncadd.s32 $0xFFFFC000  }
0x8d: {  	[spmem:s4] =	stream.indirect.scatter.add.f32 [tilespmem:s7], [sflag:$0x6], $0x80, s26, s3, $0xb8;
	[tilespmem:$0x1F000] =	vst v63  }
0x8e: {  	_ =	swait.ge [sflag:s10], $0x4000  }
0x8f: {  	[sflag:s10] =	ssyncset.done $0x0  }
0x90: {  	s8 =	simm.s32 $0x180;
	[sflag:s10] =	ssyncadd.s32 $0xFFFFC000  }
0x91: {  	[tilespmem:s7], [sflag:$0x4] =	stream.indirect.gather [hbm4b:s0+s3], $0x80, s8, s3, $0xb8;
	[tilespmem:$0x1F000] =	vst v63  }
0x92: {  	_ =	swait.ge [sflag:s9], $0x4000  }
0x93: {  	[sflag:s9] =	ssyncset.done $0x0  }
0x94: {  	s11 =	simm.s32 $0x500;
	[sflag:s9] =	ssyncadd.s32 $0xFFFFC000  }
0x95: {  	[spmem:s4] =	stream.indirect.scatter.add.f32 [tilespmem:s1], [sflag:$0x6], $0x80, s11, s3, $0xb8;
	[tilespmem:$0x1F000] =	vst v63  }
0x96: {  	_ =	swait.ge [sflag:s10], $0x4000  }
0x97: {  	[sflag:s10] =	ssyncset.done $0x0  }
0x98: {  	s26 =	simm.s32 $0x200;
	[sflag:s10] =	ssyncadd.s32 $0xFFFFC000  }
0x99: {  	[tilespmem:s1], [sflag:$0x3] =	stream.indirect.gather [hbm4b:s0+s3], $0x80, s26, s3, $0xb8;
	[tilespmem:$0x1F000] =	vst v63  }
0x9a: {  	_ =	swait.ge [sflag:s12], $0x4000  }
0x9b: {  	[sflag:s12] =	ssyncset.done $0x0  }
0x9c: {  	s8 =	simm.s32 $0x580;
	[sflag:s12] =	ssyncadd.s32 $0xFFFFC000  }
0x9d: {  	[spmem:s4] =	stream.indirect.scatter.add.f32 [tilespmem:s7], [sflag:$0x6], $0x80, s8, s3, $0xb8;
	[tilespmem:$0x1F000] =	vst v63  }
0x9e: {  	_ =	swait.ge [sflag:s10], $0x4000  }
0x9f: {  	[sflag:s10] =	ssyncset.done $0x0  }
0xa0: {  	s11 =	simm.s32 $0x280;
	[sflag:s10] =	ssyncadd.s32 $0xFFFFC000  }
0xa1: {  	[tilespmem:s7], [sflag:$0x4] =	stream.indirect.gather [hbm4b:s0+s3], $0x80, s11, s3, $0xb8;
	[tilespmem:$0x1F000] =	vst v63  }
0xa2: {  	_ =	swait.ge [sflag:s9], $0x4000  }
0xa3: {  	[sflag:s9] =	ssyncset.done $0x0  }
0xa4: {  	s26 =	simm.s32 $0x600;
	[sflag:s9] =	ssyncadd.s32 $0xFFFFC000  }
0xa5: {  	[spmem:s4] =	stream.indirect.scatter.add.f32 [tilespmem:s1], [sflag:$0x6], $0x80, s26, s3, $0xb8;
	[tilespmem:$0x1F000] =	vst v63  }
0xa6: {  	_ =	swait.ge [sflag:s10], $0x4000  }
0xa7: {  	[sflag:s10] =	ssyncset.done $0x0  }
0xa8: {  	s8 =	simm.s32 $0x300;
	[sflag:s10] =	ssyncadd.s32 $0xFFFFC000  }
0xa9: {  	[tilespmem:s1], [sflag:$0x3] =	stream.indirect.gather [hbm4b:s0+s3], $0x80, s8, s3, $0xb8;
	[tilespmem:$0x1F000] =	vst v63  }
0xaa: {  	_ =	swait.ge [sflag:s12], $0x4000  }
0xab: {  	[sflag:s12] =	ssyncset.done $0x0  }
0xac: {  	s11 =	simm.s32 $0x680;
	[sflag:s12] =	ssyncadd.s32 $0xFFFFC000  }
0xad: {  	[spmem:s4] =	stream.indirect.scatter.add.f32 [tilespmem:s7], [sflag:$0x6], $0x80, s11, s3, $0xb8;
	[tilespmem:$0x1F000] =	vst v63  }
0xae: {  	_ =	swait.ge [sflag:s10], $0x4000  }
0xaf: {  	[sflag:s10] =	ssyncset.done $0x0  }
0xb0: {  	s26 =	simm.s32 $0x380;
	[sflag:s10] =	ssyncadd.s32 $0xFFFFC000  }
0xb1: {  	[tilespmem:s7], [sflag:$0x4] =	stream.indirect.gather [hbm4b:s0+s3], $0x80, s26, s3, $0xb8;
	[tilespmem:$0x1F000] =	vst v63  }
0xb2: {  	_ =	swait.ge [sflag:s9], $0x4000  }
0xb3: {  	[sflag:s9] =	ssyncset.done $0x0  }
0xb4: {  	[sflag:s9] =	ssyncadd.s32 $0xFFFFC000  }
0xb5: {  	_ =	swait.ge [sflag:s6], $0x400  }
0xb6: {  	[sflag:s6] =	ssyncset.done $0x0  }
0xb7: {  	[sflag:s6] =	ssyncadd.s32 $0xFFFFFC00  }
0xb8: {  	_ =	swait.ge [sflag:s6], $0x400  }
0xb9: {  	[sflag:s6] =	ssyncset.done $0x0  }
0xba: {  	s8 =	simm.s32 $0x700;
	[sflag:s6] =	ssyncadd.s32 $0xFFFFFC00  }
0xbb: {  	[spmem:s4] =	stream.indirect.scatter.add.f32 [tilespmem:s1], [sflag:$0x6], $0x80, s8, s3, $0xb8;
	[tilespmem:$0x1F000] =	vst v63  }
0xbc: {  	_ =	swait.ge [sflag:s10], $0x4000  }
0xbd: {  	[sflag:s10] =	ssyncset.done $0x0  }
0xbe: {  	[sflag:s10] =	ssyncadd.s32 $0xFFFFC000  }
0xbf: {  	[tilespmem:s1], [sflag:$0x3] =	stream.indirect.gather [hbm4b:s0+s3], $0x80, s30, s3, $0xb8;
	[tilespmem:$0x1F000] =	vst v63  }
0xc0: {  	_ =	swait.ge [sflag:s12], $0x4000  }
0xc1: {  	[sflag:s12] =	ssyncset.done $0x0  }
0xc2: {  	s11 =	simm.s32 $0x780;
	[sflag:s12] =	ssyncadd.s32 $0xFFFFC000  }
0xc3: {  	[spmem:s4] =	stream.indirect.scatter.add.f32 [tilespmem:s7], [sflag:$0x6], $0x80, s11, s3, $0xb8;
	[tilespmem:$0x1F000] =	vst v63  }
0xc4: {  	_ =	swait.ge [sflag:s10], $0x4000  }
0xc5: {  	[sflag:s10] =	ssyncset.done $0x0  }
0xc6: {  	p0 =	seq.s32 s15, $0x400;
	s26 =	simm.s32 $0x880;
	[sflag:s10] =	ssyncadd.s32 $0xFFFFC000  }
0xc7: {  	[tilespmem:s7], [sflag:$0x4] =	stream.indirect.gather [hbm4b:s0+s3], $0x80, s26, s3, $0xb8;
	[tilespmem:$0x1F000] =	vst v63  }
0xc8: {  	s26 =	sshrl.u32 @!p0 s29, $0x3;
	s2 =	rddreg [dreg:$0x1]  }
0xc9: {  	s2 =	sadd.s32 @!p0 s2, s26;
	s26 =	simm.s32 @!p0 $0x0  }
0xca: {  	[tilespmem:s26], [sflag:$0x1] =	stream.linear.gather @!p0 [hbm4b:s2+s26], $0x400, $0x38;
	[tilespmem:$0x1F000] =	vst v63  }
0xcb: {  	s8 =	simm.s32 @!p0 $0x400;
	s2 =	sadd.s32 @!p0 s15, s24  }
0xcc: {  	[tilespmem:s8], [sflag:$0x1] =	stream.linear.gather @!p0 [hbm4b:s2+s26], $0x400, $0x38;
	[tilespmem:$0x1F000] =	vst v63  }
0xcd: {  	_ =	swait.ge [sflag:s9], $0x4000  }
0xce: {  	[sflag:s9] =	ssyncset.done $0x0  }
0xcf: {  	[sflag:s9] =	ssyncadd.s32 $0xFFFFC000  }
0xd0: {  	[spmem:s4] =	stream.indirect.scatter.add.f32 [tilespmem:s1], [sflag:$0x6], $0x80, s31, s3, $0xb8;
	[tilespmem:$0x1F000] =	vst v63  }
0xd1: {  	_ =	swait.ge [sflag:s10], $0x4000  }
0xd2: {  	[sflag:s10] =	ssyncset.done $0x0  }
0xd3: {  	s8 =	simm.s32 $0x900;
	[sflag:s10] =	ssyncadd.s32 $0xFFFFC000  }
0xd4: {  	[tilespmem:s1], [sflag:$0x3] =	stream.indirect.gather [hbm4b:s0+s3], $0x80, s8, s3, $0xb8;
	[tilespmem:$0x1F000] =	vst v63  }
0xd5: {  	_ =	swait.ge [sflag:s12], $0x4000  }
0xd6: {  	[sflag:s12] =	ssyncset.done $0x0  }
0xd7: {  	s11 =	simm.s32 $0xC80;
	[sflag:s12] =	ssyncadd.s32 $0xFFFFC000  }
0xd8: {  	[spmem:s4] =	stream.indirect.scatter.add.f32 [tilespmem:s7], [sflag:$0x6], $0x80, s11, s3, $0xb8;
	[tilespmem:$0x1F000] =	vst v63  }
0xd9: {  	_ =	swait.ge [sflag:s10], $0x4000  }
0xda: {  	[sflag:s10] =	ssyncset.done $0x0  }
0xdb: {  	[sflag:s10] =	ssyncadd.s32 $0xFFFFC000  }
0xdc: {  	[tilespmem:s7], [sflag:$0x4] =	stream.indirect.gather [hbm4b:s0+s3], $0x80, s28, s3, $0xb8;
	[tilespmem:$0x1F000] =	vst v63  }
0xdd: {  	_ =	swait.ge [sflag:s9], $0x4000  }
0xde: {  	[sflag:s9] =	ssyncset.done $0x0  }
0xdf: {  	[sflag:s9] =	ssyncadd.s32 $0xFFFFC000  }
0xe0: {  	[spmem:s4] =	stream.indirect.scatter.add.f32 [tilespmem:s1], [sflag:$0x6], $0x80, s13, s3, $0xb8;
	[tilespmem:$0x1F000] =	vst v63  }
0xe1: {  	_ =	swait.ge [sflag:s10], $0x4000  }
0xe2: {  	[sflag:s10] =	ssyncset.done $0x0  }
0xe3: {  	[sflag:s10] =	ssyncadd.s32 $0xFFFFC000  }
0xe4: {  	[tilespmem:s1], [sflag:$0x3] =	stream.indirect.gather [hbm4b:s0+s3], $0x80, s14, s3, $0xb8;
	[tilespmem:$0x1F000] =	vst v63  }
0xe5: {  	_ =	swait.ge [sflag:s12], $0x4000  }
0xe6: {  	[sflag:s12] =	ssyncset.done $0x0  }
0xe7: {  	[sflag:s12] =	ssyncadd.s32 $0xFFFFC000  }
0xe8: {  	[spmem:s4] =	stream.indirect.scatter.add.f32 [tilespmem:s7], [sflag:$0x6], $0x80, s16, s3, $0xb8;
	[tilespmem:$0x1F000] =	vst v63  }
0xe9: {  	_ =	swait.ge [sflag:s10], $0x4000  }
0xea: {  	[sflag:s10] =	ssyncset.done $0x0  }
0xeb: {  	[sflag:s10] =	ssyncadd.s32 $0xFFFFC000  }
0xec: {  	[tilespmem:s7], [sflag:$0x4] =	stream.indirect.gather [hbm4b:s0+s3], $0x80, s17, s3, $0xb8;
	[tilespmem:$0x1F000] =	vst v63  }
0xed: {  	_ =	swait.ge [sflag:s9], $0x4000  }
0xee: {  	[sflag:s9] =	ssyncset.done $0x0  }
0xef: {  	[sflag:s9] =	ssyncadd.s32 $0xFFFFC000  }
0xf0: {  	[spmem:s4] =	stream.indirect.scatter.add.f32 [tilespmem:s1], [sflag:$0x6], $0x80, s18, s3, $0xb8;
	[tilespmem:$0x1F000] =	vst v63  }
0xf1: {  	_ =	swait.ge [sflag:s10], $0x4000  }
0xf2: {  	[sflag:s10] =	ssyncset.done $0x0  }
0xf3: {  	[sflag:s10] =	ssyncadd.s32 $0xFFFFC000  }
0xf4: {  	[tilespmem:s1], [sflag:$0x3] =	stream.indirect.gather [hbm4b:s0+s3], $0x80, s19, s3, $0xb8;
	[tilespmem:$0x1F000] =	vst v63  }
0xf5: {  	_ =	swait.ge [sflag:s12], $0x4000  }
0xf6: {  	[sflag:s12] =	ssyncset.done $0x0  }
0xf7: {  	[sflag:s12] =	ssyncadd.s32 $0xFFFFC000  }
0xf8: {  	[spmem:s4] =	stream.indirect.scatter.add.f32 [tilespmem:s7], [sflag:$0x6], $0x80, s20, s3, $0xb8;
	[tilespmem:$0x1F000] =	vst v63  }
0xf9: {  	_ =	swait.ge [sflag:s10], $0x4000  }
0xfa: {  	[sflag:s10] =	ssyncset.done $0x0  }
0xfb: {  	[sflag:s10] =	ssyncadd.s32 $0xFFFFC000  }
0xfc: {  	[tilespmem:s7], [sflag:$0x4] =	stream.indirect.gather [hbm4b:s0+s3], $0x80, s21, s3, $0xb8;
	[tilespmem:$0x1F000] =	vst v63  }
0xfd: {  	_ =	swait.ge [sflag:s9], $0x4000  }
0xfe: {  	s2 =	simm.s32 @p0 $0x80;
	[sflag:s9] =	ssyncset.done $0x0  }
0xff: {  	s8 =	simm.s32 @p0 $0xF00;
	s11 =	simm.s32 @p0 $0x1000;
	[sflag:s9] =	ssyncadd.s32 $0xFFFFC000  }
0x100: {  	[spmem:s4] =	stream.indirect.scatter.add.f32 @p0 [tilespmem:s11], [sflag:$0x6], $0x80, s8, s2, $0xb8;
	[tilespmem:$0x1F000] =	vst v63  }
0x101: {  	s2 =	simm.s32 @p0 $0x6  }
0x102: {  	_ =	swait.ge @p0 [sflag:s2], $0x4000  }
0x103: {  	[sflag:s2] =	ssyncset.done @p0 $0x0  }
0x104: {  	[sflag:s2] =	ssyncadd.s32 @p0 $0xFFFFC000;
	s2 =	simm.s32 @!p0 $0x1  }
0x105: {  	_ =	swait.ge @!p0 [sflag:s2], $0x400  }
0x106: {  	[sflag:s2] =	ssyncset.done @!p0 $0x0  }
0x107: {  	[sflag:s2] =	ssyncadd.s32 @!p0 $0xFFFFFC00  }
0x108: {  	_ =	swait.ge @!p0 [sflag:s2], $0x400  }
0x109: {  	s8 =	simm.s32 @!p0 $0xF00;
	[sflag:s2] =	ssyncset.done @!p0 $0x0  }
0x10a: {  	s11 =	simm.s32 @!p0 $0x1000;
	[sflag:s2] =	ssyncadd.s32 @!p0 $0xFFFFFC00;
	s2 =	simm.s32 @!p0 $0x80  }
0x10b: {  	[spmem:s4] =	stream.indirect.scatter.add.f32 @!p0 [tilespmem:s11], [sflag:$0x6], $0x80, s8, s2, $0xb8;
	[tilespmem:$0x1F000] =	vst v63  }
0x10c: {  	s8 =	simm.s32 @!p0 $0x6  }
0x10d: {  	_ =	swait.ge @!p0 [sflag:s8], $0x4000  }
0x10e: {  	[sflag:s8] =	ssyncset.done @!p0 $0x0  }
0x10f: {  	[sflag:s8] =	ssyncadd.s32 @!p0 $0xFFFFC000  }
0x110: {  	[tilespmem:s11], [sflag:$0x3] =	stream.indirect.gather @!p0 [hbm4b:s0+s2], $0x80, s26, s2, $0xb8;
	[tilespmem:$0x1F000] =	vst v63  }
0x111: {  	_ =	swait.ge [sflag:s12], $0x4000  }
0x112: {  	[sflag:s12] =	ssyncset.done $0x0  }
.Ltmp3:
0x113: {  	[sflag:s12] =	ssyncadd.s32 $0xFFFFC000;
	(pc) =	sbr.rel @p0 .LBB2_6-.Ltmp3, $4  }
0x114: {  	[spmem:s4] =	stream.indirect.scatter.add.f32 [tilespmem:s7], [sflag:$0x6], $0x80, s25, s3, $0xb8;
	[tilespmem:$0x1F000] =	vst v63  }
0x115: {  	_ =	swait.ge [sflag:s10], $0x4000  }
0x116: {  	[sflag:s10] =	ssyncset.done $0x0  }
0x117: {  	[sflag:s10] =	ssyncadd.s32 $0xFFFFC000  }
0x118: {  	[tilespmem:s7], [sflag:$0x4] =	stream.indirect.gather [hbm4b:s0+s3], $0x80, s3, s3, $0xb8;
	[tilespmem:$0x1F000] =	vst v63  }
.Ltmp4:
0x119: {  	_ = 	snop;
	(pc) =	sbr.rel .LBB2_4-.Ltmp4, $4  }
0x11a: {  	s2 =	sadd.s32 s15, s23  }
0x11b: {  	[tilespmem:s30], [sflag:$0x2] =	stream.linear.gather [hbm4b:s2+s5], $0x400, $0x38;
	[tilespmem:$0x1F000] =	vst v63  }
0x11c: {  	s26 =	sadd.s32 s15, s22;
	s15 =	sadd.s32 $0x100, s15;
	s29 =	sadd.s32 $0x800, s29  }
0x11d: {  	[tilespmem:s31], [sflag:$0x2] =	stream.linear.gather [hbm4b:s26+s5], $0x400, $0x38;
	[tilespmem:$0x1F000] =	vst v63  }
.LBB2_7:
0x11e: {  	_ =	sfence.sel $0x180000  }
0x11f: {  	[bflag:$0x0] =	sbarrier.arrive $0xFFFF  }
0x120: {  	_ =	strace $0x90000047  }
0x121: {  	s0 =	stileid.u32;
	[bflag:$0x2] =	sbarrier.arrive $0xFFFF  }
0x122: {  	p0 =	sne.s32 s0, $0x0;
	s0 =	rddreg [dreg:$0x4]  }
0x123: {  	s0 =	sadd.s32 @!p0 $0x100000, s0  }
0x124: {  	[sflag:s0] =	ssyncadd.tile.s32 @!p0 $0x1;
	_ =	shalt  }
.Lfunc_end2:
_tile_overlayer_lowered:
.L_overlay_start_2:
0x125: {  	(tag) =	ssettag $0x2  }
0x126: {  	s0 =	rddreg [dreg:$0x0];
	s2 =	stileid.u32  }
0x127: {  	s1 =	rddreg [dreg:$0x1];
	p0 =	sne.s32 s2, $0x0  }
0x128: {  	s3 =	rddreg [dreg:$0x2];
	[bflag:$0x3] =	sbarrier.arrive $0xFFFF;
	s2 =	simm.s32 @!p0 $0x1C06  }
0x129: {  	[timem:s3], [sflag:s2] =	dma.local @!p0 [hbm:s0], s1  }
0x12a: {  	s0 =	simm.s32 @!p0 $0x6  }
0x12b: {  	_ =	swait.ge @!p0 [sflag:s0], s1  }
0x12c: {  	s1 =	ssub.s32 @!p0 $0x0, s1;
	[sflag:s0] =	ssyncset.done @!p0 $0x0  }
0x12d: {  	[sflag:s0] =	ssyncadd.s32 @!p0 s1  }
0x12e: {  	[bflag:$0x3] =	sbarrier.arrive $0xFFFF  }
0x12f: {  	_ =	shalt  }

</sc_bundles>
